<compile_context>
chip_gen: v7x
topology: tpu7x:2x2x1
jax: 0.10.2.dev20260603
libtpu: 0.0.44.dev20260713+nightly
codegen_flags: <defaults>
</compile_context>

<pallas_src>
import functools

import jax
import jax.numpy as jnp
from jax import lax
from jax.experimental import pallas as pl
from jax.experimental.pallas import tpu as pltpu, tpu_sc as plsc

_B, _C, _H, _W = 4, 96, 512, 512
_P = 64
_PLANE = _H * _W
_ROWS = _B * _C
_NC = 2
_L = 16
_RPT = 16
_ACTIVE = _ROWS // _RPT
_CPR = _P // _L
_NQ = _RPT * _CPR
_TP = _RPT * _L
_CPB = _C // _RPT


def _body(xf, px_hbm, py_hbm, out_hbm,
          px_v, py_v, idx_v, tidx_v, vals_v, part_v, tpart_v, out_v,
          t_shared, sem):
    wid = lax.axis_index("s") * _NC + lax.axis_index("c")

    @pl.when(wid < _ACTIVE)
    def _():
        cpx = pltpu.async_copy(px_hbm, px_v, sem)
        cpy = pltpu.async_copy(py_hbm, py_v, sem)
        lanes = lax.iota(jnp.int32, _L)
        sbase = wid * _TP
        for m in range(_RPT):
            tidx_v[m // 8, pl.ds((m % 8) * _L, _L)] = sbase + lanes * _L + m
        cpx.wait()
        cpy.wait()
        toffs = []
        for c in range(_CPR):
            sl = pl.ds(c * _L, _L)
            hx, wy = px_v[sl], py_v[sl]
            toffs.append((hx >> 3) * 4096 + (wy >> 7) * 1024
                         + (hx & 7) * 128 + (wy & 127))
        base0 = wid * _RPT
        copies = []
        for j in range(_NQ // 8):
            for k in range(8):
                q = j * 8 + k
                r, c = q // _CPR, q % _CPR
                row_base = (base0 + r) * _PLANE
                idx_v[j, pl.ds(k * _L, _L)] = row_base + toffs[c]
            copies.append(
                pltpu.async_copy(xf.at[idx_v.at[j]],
                                 vals_v.at[pl.ds(j * 8 * _L, 8 * _L)],
                                 sem))
        for cp in copies:
            cp.wait()
        for r in range(_RPT):
            acc = jnp.zeros((_L,), jnp.float32)
            for c in range(_CPR):
                v = vals_v[pl.ds((r * _CPR + c) * _L, _L)]
                acc = acc + v * v
            part_v[pl.ds(r * _L, _L)] = acc
        scats = [
            pltpu.async_copy(part_v.at[pl.ds(j * 8 * _L, 8 * _L)],
                             t_shared.at[tidx_v.at[j]], sem)
            for j in range(2)
        ]
        for cp in scats:
            cp.wait()
        pltpu.sync_copy(t_shared.at[pl.ds(sbase, _TP)], tpart_v)
        out = jnp.zeros((_L,), jnp.float32)
        for l in range(_L):
            out = out + tpart_v[pl.ds(l * _L, _L)]
        out_v[...] = out
        pltpu.sync_copy(out_v,
                        out_hbm.at[wid // _CPB,
                                   pl.ds((wid % _CPB) * _RPT, _RPT)])


@functools.partial(
    pl.kernel,
    out_type=jax.ShapeDtypeStruct((_B, _C), jnp.float32),
    mesh=plsc.VectorSubcoreMesh(core_axis_name="c", subcore_axis_name="s"),
    scratch_types=[
        pltpu.VMEM((_P,), jnp.int32),
        pltpu.VMEM((_P,), jnp.int32),
        pltpu.VMEM((_NQ // 8, 8 * _L), jnp.int32),
        pltpu.VMEM((2, 8 * _L), jnp.int32),
        pltpu.VMEM((_RPT * _P,), jnp.float32),
        pltpu.VMEM((_RPT * _L,), jnp.float32),
        pltpu.VMEM((_TP,), jnp.float32),
        pltpu.VMEM((_L,), jnp.float32),
        pltpu.MemorySpace.VMEM_SHARED((_ACTIVE * _TP,), jnp.float32),
        pltpu.SemaphoreType.DMA,
    ],
)
def _probe_kernel(xf, px_hbm, py_hbm, out_hbm, *scratch):
    _body(xf, px_hbm, py_hbm, out_hbm, *scratch)


def kernel(x, px, py):
    xt = (x.reshape(_B, _C, _H // 8, 8, _W // 128, 128)
          .transpose(0, 1, 2, 4, 3, 5).reshape(-1))
    return _probe_kernel(xt, px, py)

# --- scband reference (transcript-rebuilt; emitter-appended) ---
"""Pipeline reference for scband-intensity-probe-21646635172693 (READ-ONLY COPY).

The authoritative reference and input builder live on the scoring server;
editing this copy changes nothing except your own understanding.
"""

import jax, jax.numpy as jnp
import numpy as np


def setup_inputs(seed: int = 0) -> dict:
    key = jax.random.key(seed)
    x = jax.random.normal(key, (4, 96, 512, 512), dtype=jnp.float32)
    px = (jnp.arange(64, dtype=jnp.int32) * 8).astype(jnp.int32)
    py = (jnp.arange(64, dtype=jnp.int32) * 8 + 4).astype(jnp.int32)
    return {"x": x, "px": px, "py": py}


def reference(x, px, py):
    # IntensityProbe.forward: advanced indexing with paired (px, py) -> [B, C, P]
    probed = x[:, :, px, py]
    out = jnp.abs(probed) ** 2
    # out.dim() == 3 -> sum over dim 2 (the probe-point axis)
    out = jnp.sum(out, axis=2)
    return out

if __name__ == "__main__":
    import jax
    _d = setup_inputs()
    print(jax.jit(kernel)(*tuple(_d.values())))

</pallas_src>

<mosaic_0001>
#map = affine_map<(d0, d1) -> (0)>
#map1 = affine_map<(d0, d1) -> (0, 0)>
module attributes {stable_mosaic.version = 14 : i64} {
  func.func @_probe_kernel(%arg0: i32, %arg1: i32, %arg2: memref<100663296xf32, #tpu.memory_space<hbm>>, %arg3: memref<64xi32, #tpu.memory_space<hbm>>, %arg4: memref<64xi32, #tpu.memory_space<hbm>>, %arg5: memref<4x96xf32, #tpu.memory_space<hbm>>, %arg6: memref<64xi32, #tpu.memory_space<vmem>>, %arg7: memref<64xi32, #tpu.memory_space<vmem>>, %arg8: memref<8x128xi32, #tpu.memory_space<vmem>>, %arg9: memref<2x128xi32, #tpu.memory_space<vmem>>, %arg10: memref<1024xf32, #tpu.memory_space<vmem>>, %arg11: memref<256xf32, #tpu.memory_space<vmem>>, %arg12: memref<256xf32, #tpu.memory_space<vmem>>, %arg13: memref<16xf32, #tpu.memory_space<vmem>>, %arg14: memref<6144xf32, #tpu.memory_space<vmem_shared>>, %arg15: memref<!tpu.dma_semaphore, #tpu.memory_space<semaphore_mem>>) attributes {dimension_semantics = [#tpu.dimension_semantics<core_parallel>, #tpu.dimension_semantics<subcore_parallel>], iteration_bounds = array<i64: 2, 16>, scalar_prefetch = 0 : i64, scratch_operands = 10 : i64, tpu.core_type = #tpu.core_type<sc_vector_subcore>, window_params = [{transform_indices = #map}, {transform_indices = #map}, {transform_indices = #map}, {transform_indices = #map1}]} {
    %mul3A = arith.constant 2 : i32
    %mul3A_0 = arith.muli %arg1, %mul3A : i32
    %add3A = arith.addi %mul3A_0, %arg0 : i32
    %lt3A = arith.constant 24 : i32
    %lt3A_1 = arith.cmpi slt, %add3A, %lt3A : i32
    %convert_element_type3A = arith.extui %lt3A_1 : i1 to i32
    %cond3A = arith.constant 0 : i32
    %cond3A_2 = arith.cmpi ne, %convert_element_type3A, %cond3A : i32
    scf.if %cond3A_2 {
      tpu.enqueue_dma source(%arg3 : memref<64xi32, #tpu.memory_space<hbm>>) target(%arg6 : memref<64xi32, #tpu.memory_space<vmem>>) target_semaphore(%arg15 : memref<!tpu.dma_semaphore, #tpu.memory_space<semaphore_mem>>)
      tpu.enqueue_dma source(%arg4 : memref<64xi32, #tpu.memory_space<hbm>>) target(%arg7 : memref<64xi32, #tpu.memory_space<vmem>>) target_semaphore(%arg15 : memref<!tpu.dma_semaphore, #tpu.memory_space<semaphore_mem>>)
      %iota3A = tpu.iota {dimensions = array<i32: 0>} : vector<16xi32>
      %mul3A_3 = arith.constant 256 : i32
      %mul3A_4 = arith.muli %add3A, %mul3A_3 : i32
      %mul3A_5 = arith.constant 16 : i32
      %mul3A_6 = vector.broadcast %mul3A_5 : i32 to vector<16xi32>
      %mul3A_7 = arith.muli %iota3A, %mul3A_6 : vector<16xi32>
      %add3A_8 = vector.broadcast %mul3A_4 : i32 to vector<16xi32>
      %add3A_9 = arith.addi %add3A_8, %mul3A_7 : vector<16xi32>
      %add3A_10 = arith.constant 0 : i32
      %add3A_11 = vector.broadcast %add3A_10 : i32 to vector<16xi32>
      %add3A_12 = arith.addi %add3A_9, %add3A_11 : vector<16xi32>
      %swap3A = arith.constant 0 : i32
      %swap3A_13 = arith.index_cast %swap3A : i32 to index
      %swap3A_14 = arith.constant 0 : index
      %swap3A_15 = tpu.vector_load %arg9[%swap3A_13, %swap3A_14] {strides = array<i32>} : memref<2x128xi32, #tpu.memory_space<vmem>>, vector<1x16xi32>,
      %swap3A_16 = vector.shape_cast %swap3A_15 : vector<1x16xi32> to vector<16xi32>
      %swap3A_17 = vector.shape_cast %add3A_12 : vector<16xi32> to vector<1x16xi32>
      tpu.vector_store %arg9[%swap3A_13, %swap3A_14], %swap3A_17 {strides = array<i32>} : memref<2x128xi32, #tpu.memory_space<vmem>>, vector<1x16xi32>,
      %mul3A_18 = arith.constant 16 : i32
      %mul3A_19 = vector.broadcast %mul3A_18 : i32 to vector<16xi32>
      %mul3A_20 = arith.muli %iota3A, %mul3A_19 : vector<16xi32>
      %add3A_21 = vector.broadcast %mul3A_4 : i32 to vector<16xi32>
      %add3A_22 = arith.addi %add3A_21, %mul3A_20 : vector<16xi32>
      %add3A_23 = arith.constant 1 : i32
      %add3A_24 = vector.broadcast %add3A_23 : i32 to vector<16xi32>
      %add3A_25 = arith.addi %add3A_22, %add3A_24 : vector<16xi32>
      %swap3A_26 = arith.constant 0 : i32
      %swap3A_27 = arith.index_cast %swap3A_26 : i32 to index
      %swap3A_28 = arith.constant 16 : index
      %swap3A_29 = tpu.vector_load %arg9[%swap3A_27, %swap3A_28] {strides = array<i32>} : memref<2x128xi32, #tpu.memory_space<vmem>>, vector<1x16xi32>,
      %swap3A_30 = vector.shape_cast %swap3A_29 : vector<1x16xi32> to vector<16xi32>
      %swap3A_31 = vector.shape_cast %add3A_25 : vector<16xi32> to vector<1x16xi32>
      tpu.vector_store %arg9[%swap3A_27, %swap3A_28], %swap3A_31 {strides = array<i32>} : memref<2x128xi32, #tpu.memory_space<vmem>>, vector<1x16xi32>,
      %mul3A_32 = arith.constant 16 : i32
      %mul3A_33 = vector.broadcast %mul3A_32 : i32 to vector<16xi32>
      %mul3A_34 = arith.muli %iota3A, %mul3A_33 : vector<16xi32>
      %add3A_35 = vector.broadcast %mul3A_4 : i32 to vector<16xi32>
      %add3A_36 = arith.addi %add3A_35, %mul3A_34 : vector<16xi32>
      %add3A_37 = arith.constant 2 : i32
      %add3A_38 = vector.broadcast %add3A_37 : i32 to vector<16xi32>
      %add3A_39 = arith.addi %add3A_36, %add3A_38 : vector<16xi32>
      %swap3A_40 = arith.constant 0 : i32
      %swap3A_41 = arith.index_cast %swap3A_40 : i32 to index
      %swap3A_42 = arith.constant 32 : index
      %swap3A_43 = tpu.vector_load %arg9[%swap3A_41, %swap3A_42] {strides = array<i32>} : memref<2x128xi32, #tpu.memory_space<vmem>>, vector<1x16xi32>,
      %swap3A_44 = vector.shape_cast %swap3A_43 : vector<1x16xi32> to vector<16xi32>
      %swap3A_45 = vector.shape_cast %add3A_39 : vector<16xi32> to vector<1x16xi32>
      tpu.vector_store %arg9[%swap3A_41, %swap3A_42], %swap3A_45 {strides = array<i32>} : memref<2x128xi32, #tpu.memory_space<vmem>>, vector<1x16xi32>,
      %mul3A_46 = arith.constant 16 : i32
      %mul3A_47 = vector.broadcast %mul3A_46 : i32 to vector<16xi32>
      %mul3A_48 = arith.muli %iota3A, %mul3A_47 : vector<16xi32>
      %add3A_49 = vector.broadcast %mul3A_4 : i32 to vector<16xi32>
      %add3A_50 = arith.addi %add3A_49, %mul3A_48 : vector<16xi32>
      %add3A_51 = arith.constant 3 : i32
      %add3A_52 = vector.broadcast %add3A_51 : i32 to vector<16xi32>
      %add3A_53 = arith.addi %add3A_50, %add3A_52 : vector<16xi32>
      %swap3A_54 = arith.constant 0 : i32
      %swap3A_55 = arith.index_cast %swap3A_54 : i32 to index
      %swap3A_56 = arith.constant 48 : index
      %swap3A_57 = tpu.vector_load %arg9[%swap3A_55, %swap3A_56] {strides = array<i32>} : memref<2x128xi32, #tpu.memory_space<vmem>>, vector<1x16xi32>,
      %swap3A_58 = vector.shape_cast %swap3A_57 : vector<1x16xi32> to vector<16xi32>
      %swap3A_59 = vector.shape_cast %add3A_53 : vector<16xi32> to vector<1x16xi32>
      tpu.vector_store %arg9[%swap3A_55, %swap3A_56], %swap3A_59 {strides = array<i32>} : memref<2x128xi32, #tpu.memory_space<vmem>>, vector<1x16xi32>,
      %mul3A_60 = arith.constant 16 : i32
      %mul3A_61 = vector.broadcast %mul3A_60 : i32 to vector<16xi32>
      %mul3A_62 = arith.muli %iota3A, %mul3A_61 : vector<16xi32>
      %add3A_63 = vector.broadcast %mul3A_4 : i32 to vector<16xi32>
      %add3A_64 = arith.addi %add3A_63, %mul3A_62 : vector<16xi32>
      %add3A_65 = arith.constant 4 : i32
      %add3A_66 = vector.broadcast %add3A_65 : i32 to vector<16xi32>
      %add3A_67 = arith.addi %add3A_64, %add3A_66 : vector<16xi32>
      %swap3A_68 = arith.constant 0 : i32
      %swap3A_69 = arith.index_cast %swap3A_68 : i32 to index
      %swap3A_70 = arith.constant 64 : index
      %swap3A_71 = tpu.vector_load %arg9[%swap3A_69, %swap3A_70] {strides = array<i32>} : memref<2x128xi32, #tpu.memory_space<vmem>>, vector<1x16xi32>,
      %swap3A_72 = vector.shape_cast %swap3A_71 : vector<1x16xi32> to vector<16xi32>
      %swap3A_73 = vector.shape_cast %add3A_67 : vector<16xi32> to vector<1x16xi32>
      tpu.vector_store %arg9[%swap3A_69, %swap3A_70], %swap3A_73 {strides = array<i32>} : memref<2x128xi32, #tpu.memory_space<vmem>>, vector<1x16xi32>,
      %mul3A_74 = arith.constant 16 : i32
      %mul3A_75 = vector.broadcast %mul3A_74 : i32 to vector<16xi32>
      %mul3A_76 = arith.muli %iota3A, %mul3A_75 : vector<16xi32>
      %add3A_77 = vector.broadcast %mul3A_4 : i32 to vector<16xi32>
      %add3A_78 = arith.addi %add3A_77, %mul3A_76 : vector<16xi32>
      %add3A_79 = arith.constant 5 : i32
      %add3A_80 = vector.broadcast %add3A_79 : i32 to vector<16xi32>
      %add3A_81 = arith.addi %add3A_78, %add3A_80 : vector<16xi32>
      %swap3A_82 = arith.constant 0 : i32
      %swap3A_83 = arith.index_cast %swap3A_82 : i32 to index
      %swap3A_84 = arith.constant 80 : index
      %swap3A_85 = tpu.vector_load %arg9[%swap3A_83, %swap3A_84] {strides = array<i32>} : memref<2x128xi32, #tpu.memory_space<vmem>>, vector<1x16xi32>,
      %swap3A_86 = vector.shape_cast %swap3A_85 : vector<1x16xi32> to vector<16xi32>
      %swap3A_87 = vector.shape_cast %add3A_81 : vector<16xi32> to vector<1x16xi32>
      tpu.vector_store %arg9[%swap3A_83, %swap3A_84], %swap3A_87 {strides = array<i32>} : memref<2x128xi32, #tpu.memory_space<vmem>>, vector<1x16xi32>,
      %mul3A_88 = arith.constant 16 : i32
      %mul3A_89 = vector.broadcast %mul3A_88 : i32 to vector<16xi32>
      %mul3A_90 = arith.muli %iota3A, %mul3A_89 : vector<16xi32>
      %add3A_91 = vector.broadcast %mul3A_4 : i32 to vector<16xi32>
      %add3A_92 = arith.addi %add3A_91, %mul3A_90 : vector<16xi32>
      %add3A_93 = arith.constant 6 : i32
      %add3A_94 = vector.broadcast %add3A_93 : i32 to vector<16xi32>
      %add3A_95 = arith.addi %add3A_92, %add3A_94 : vector<16xi32>
      %swap3A_96 = arith.constant 0 : i32
      %swap3A_97 = arith.index_cast %swap3A_96 : i32 to index
      %swap3A_98 = arith.constant 96 : index
      %swap3A_99 = tpu.vector_load %arg9[%swap3A_97, %swap3A_98] {strides = array<i32>} : memref<2x128xi32, #tpu.memory_space<vmem>>, vector<1x16xi32>,
      %swap3A_100 = vector.shape_cast %swap3A_99 : vector<1x16xi32> to vector<16xi32>
      %swap3A_101 = vector.shape_cast %add3A_95 : vector<16xi32> to vector<1x16xi32>
      tpu.vector_store %arg9[%swap3A_97, %swap3A_98], %swap3A_101 {strides = array<i32>} : memref<2x128xi32, #tpu.memory_space<vmem>>, vector<1x16xi32>,
      %mul3A_102 = arith.constant 16 : i32
      %mul3A_103 = vector.broadcast %mul3A_102 : i32 to vector<16xi32>
      %mul3A_104 = arith.muli %iota3A, %mul3A_103 : vector<16xi32>
      %add3A_105 = vector.broadcast %mul3A_4 : i32 to vector<16xi32>
      %add3A_106 = arith.addi %add3A_105, %mul3A_104 : vector<16xi32>
      %add3A_107 = arith.constant 7 : i32
      %add3A_108 = vector.broadcast %add3A_107 : i32 to vector<16xi32>
      %add3A_109 = arith.addi %add3A_106, %add3A_108 : vector<16xi32>
      %swap3A_110 = arith.constant 0 : i32
      %swap3A_111 = arith.index_cast %swap3A_110 : i32 to index
      %swap3A_112 = arith.constant 112 : index
      %swap3A_113 = tpu.vector_load %arg9[%swap3A_111, %swap3A_112] {strides = array<i32>} : memref<2x128xi32, #tpu.memory_space<vmem>>, vector<1x16xi32>,
      %swap3A_114 = vector.shape_cast %swap3A_113 : vector<1x16xi32> to vector<16xi32>
      %swap3A_115 = vector.shape_cast %add3A_109 : vector<16xi32> to vector<1x16xi32>
      tpu.vector_store %arg9[%swap3A_111, %swap3A_112], %swap3A_115 {strides = array<i32>} : memref<2x128xi32, #tpu.memory_space<vmem>>, vector<1x16xi32>,
      %mul3A_116 = arith.constant 16 : i32
      %mul3A_117 = vector.broadcast %mul3A_116 : i32 to vector<16xi32>
      %mul3A_118 = arith.muli %iota3A, %mul3A_117 : vector<16xi32>
      %add3A_119 = vector.broadcast %mul3A_4 : i32 to vector<16xi32>
      %add3A_120 = arith.addi %add3A_119, %mul3A_118 : vector<16xi32>
      %add3A_121 = arith.constant 8 : i32
      %add3A_122 = vector.broadcast %add3A_121 : i32 to vector<16xi32>
      %add3A_123 = arith.addi %add3A_120, %add3A_122 : vector<16xi32>
      %swap3A_124 = arith.constant 1 : i32
      %swap3A_125 = arith.index_cast %swap3A_124 : i32 to index
      %swap3A_126 = arith.constant 0 : index
      %swap3A_127 = tpu.vector_load %arg9[%swap3A_125, %swap3A_126] {strides = array<i32>} : memref<2x128xi32, #tpu.memory_space<vmem>>, vector<1x16xi32>,
      %swap3A_128 = vector.shape_cast %swap3A_127 : vector<1x16xi32> to vector<16xi32>
      %swap3A_129 = vector.shape_cast %add3A_123 : vector<16xi32> to vector<1x16xi32>
      tpu.vector_store %arg9[%swap3A_125, %swap3A_126], %swap3A_129 {strides = array<i32>} : memref<2x128xi32, #tpu.memory_space<vmem>>, vector<1x16xi32>,
      %mul3A_130 = arith.constant 16 : i32
      %mul3A_131 = vector.broadcast %mul3A_130 : i32 to vector<16xi32>
      %mul3A_132 = arith.muli %iota3A, %mul3A_131 : vector<16xi32>
      %add3A_133 = vector.broadcast %mul3A_4 : i32 to vector<16xi32>
      %add3A_134 = arith.addi %add3A_133, %mul3A_132 : vector<16xi32>
      %add3A_135 = arith.constant 9 : i32
      %add3A_136 = vector.broadcast %add3A_135 : i32 to vector<16xi32>
      %add3A_137 = arith.addi %add3A_134, %add3A_136 : vector<16xi32>
      %swap3A_138 = arith.constant 1 : i32
      %swap3A_139 = arith.index_cast %swap3A_138 : i32 to index
      %swap3A_140 = arith.constant 16 : index
      %swap3A_141 = tpu.vector_load %arg9[%swap3A_139, %swap3A_140] {strides = array<i32>} : memref<2x128xi32, #tpu.memory_space<vmem>>, vector<1x16xi32>,
      %swap3A_142 = vector.shape_cast %swap3A_141 : vector<1x16xi32> to vector<16xi32>
      %swap3A_143 = vector.shape_cast %add3A_137 : vector<16xi32> to vector<1x16xi32>
      tpu.vector_store %arg9[%swap3A_139, %swap3A_140], %swap3A_143 {strides = array<i32>} : memref<2x128xi32, #tpu.memory_space<vmem>>, vector<1x16xi32>,
      %mul3A_144 = arith.constant 16 : i32
      %mul3A_145 = vector.broadcast %mul3A_144 : i32 to vector<16xi32>
      %mul3A_146 = arith.muli %iota3A, %mul3A_145 : vector<16xi32>
      %add3A_147 = vector.broadcast %mul3A_4 : i32 to vector<16xi32>
      %add3A_148 = arith.addi %add3A_147, %mul3A_146 : vector<16xi32>
      %add3A_149 = arith.constant 10 : i32
      %add3A_150 = vector.broadcast %add3A_149 : i32 to vector<16xi32>
      %add3A_151 = arith.addi %add3A_148, %add3A_150 : vector<16xi32>
      %swap3A_152 = arith.constant 1 : i32
      %swap3A_153 = arith.index_cast %swap3A_152 : i32 to index
      %swap3A_154 = arith.constant 32 : index
      %swap3A_155 = tpu.vector_load %arg9[%swap3A_153, %swap3A_154] {strides = array<i32>} : memref<2x128xi32, #tpu.memory_space<vmem>>, vector<1x16xi32>,
      %swap3A_156 = vector.shape_cast %swap3A_155 : vector<1x16xi32> to vector<16xi32>
      %swap3A_157 = vector.shape_cast %add3A_151 : vector<16xi32> to vector<1x16xi32>
      tpu.vector_store %arg9[%swap3A_153, %swap3A_154], %swap3A_157 {strides = array<i32>} : memref<2x128xi32, #tpu.memory_space<vmem>>, vector<1x16xi32>,
      %mul3A_158 = arith.constant 16 : i32
      %mul3A_159 = vector.broadcast %mul3A_158 : i32 to vector<16xi32>
      %mul3A_160 = arith.muli %iota3A, %mul3A_159 : vector<16xi32>
      %add3A_161 = vector.broadcast %mul3A_4 : i32 to vector<16xi32>
      %add3A_162 = arith.addi %add3A_161, %mul3A_160 : vector<16xi32>
      %add3A_163 = arith.constant 11 : i32
      %add3A_164 = vector.broadcast %add3A_163 : i32 to vector<16xi32>
      %add3A_165 = arith.addi %add3A_162, %add3A_164 : vector<16xi32>
      %swap3A_166 = arith.constant 1 : i32
      %swap3A_167 = arith.index_cast %swap3A_166 : i32 to index
      %swap3A_168 = arith.constant 48 : index
      %swap3A_169 = tpu.vector_load %arg9[%swap3A_167, %swap3A_168] {strides = array<i32>} : memref<2x128xi32, #tpu.memory_space<vmem>>, vector<1x16xi32>,
      %swap3A_170 = vector.shape_cast %swap3A_169 : vector<1x16xi32> to vector<16xi32>
      %swap3A_171 = vector.shape_cast %add3A_165 : vector<16xi32> to vector<1x16xi32>
      tpu.vector_store %arg9[%swap3A_167, %swap3A_168], %swap3A_171 {strides = array<i32>} : memref<2x128xi32, #tpu.memory_space<vmem>>, vector<1x16xi32>,
      %mul3A_172 = arith.constant 16 : i32
      %mul3A_173 = vector.broadcast %mul3A_172 : i32 to vector<16xi32>
      %mul3A_174 = arith.muli %iota3A, %mul3A_173 : vector<16xi32>
      %add3A_175 = vector.broadcast %mul3A_4 : i32 to vector<16xi32>
      %add3A_176 = arith.addi %add3A_175, %mul3A_174 : vector<16xi32>
      %add3A_177 = arith.constant 12 : i32
      %add3A_178 = vector.broadcast %add3A_177 : i32 to vector<16xi32>
      %add3A_179 = arith.addi %add3A_176, %add3A_178 : vector<16xi32>
      %swap3A_180 = arith.constant 1 : i32
      %swap3A_181 = arith.index_cast %swap3A_180 : i32 to index
      %swap3A_182 = arith.constant 64 : index
      %swap3A_183 = tpu.vector_load %arg9[%swap3A_181, %swap3A_182] {strides = array<i32>} : memref<2x128xi32, #tpu.memory_space<vmem>>, vector<1x16xi32>,
      %swap3A_184 = vector.shape_cast %swap3A_183 : vector<1x16xi32> to vector<16xi32>
      %swap3A_185 = vector.shape_cast %add3A_179 : vector<16xi32> to vector<1x16xi32>
      tpu.vector_store %arg9[%swap3A_181, %swap3A_182], %swap3A_185 {strides = array<i32>} : memref<2x128xi32, #tpu.memory_space<vmem>>, vector<1x16xi32>,
      %mul3A_186 = arith.constant 16 : i32
      %mul3A_187 = vector.broadcast %mul3A_186 : i32 to vector<16xi32>
      %mul3A_188 = arith.muli %iota3A, %mul3A_187 : vector<16xi32>
      %add3A_189 = vector.broadcast %mul3A_4 : i32 to vector<16xi32>
      %add3A_190 = arith.addi %add3A_189, %mul3A_188 : vector<16xi32>
      %add3A_191 = arith.constant 13 : i32
      %add3A_192 = vector.broadcast %add3A_191 : i32 to vector<16xi32>
      %add3A_193 = arith.addi %add3A_190, %add3A_192 : vector<16xi32>
      %swap3A_194 = arith.constant 1 : i32
      %swap3A_195 = arith.index_cast %swap3A_194 : i32 to index
      %swap3A_196 = arith.constant 80 : index
      %swap3A_197 = tpu.vector_load %arg9[%swap3A_195, %swap3A_196] {strides = array<i32>} : memref<2x128xi32, #tpu.memory_space<vmem>>, vector<1x16xi32>,
      %swap3A_198 = vector.shape_cast %swap3A_197 : vector<1x16xi32> to vector<16xi32>
      %swap3A_199 = vector.shape_cast %add3A_193 : vector<16xi32> to vector<1x16xi32>
      tpu.vector_store %arg9[%swap3A_195, %swap3A_196], %swap3A_199 {strides = array<i32>} : memref<2x128xi32, #tpu.memory_space<vmem>>, vector<1x16xi32>,
      %mul3A_200 = arith.constant 16 : i32
      %mul3A_201 = vector.broadcast %mul3A_200 : i32 to vector<16xi32>
      %mul3A_202 = arith.muli %iota3A, %mul3A_201 : vector<16xi32>
      %add3A_203 = vector.broadcast %mul3A_4 : i32 to vector<16xi32>
      %add3A_204 = arith.addi %add3A_203, %mul3A_202 : vector<16xi32>
      %add3A_205 = arith.constant 14 : i32
      %add3A_206 = vector.broadcast %add3A_205 : i32 to vector<16xi32>
      %add3A_207 = arith.addi %add3A_204, %add3A_206 : vector<16xi32>
      %swap3A_208 = arith.constant 1 : i32
      %swap3A_209 = arith.index_cast %swap3A_208 : i32 to index
      %swap3A_210 = arith.constant 96 : index
      %swap3A_211 = tpu.vector_load %arg9[%swap3A_209, %swap3A_210] {strides = array<i32>} : memref<2x128xi32, #tpu.memory_space<vmem>>, vector<1x16xi32>,
      %swap3A_212 = vector.shape_cast %swap3A_211 : vector<1x16xi32> to vector<16xi32>
      %swap3A_213 = vector.shape_cast %add3A_207 : vector<16xi32> to vector<1x16xi32>
      tpu.vector_store %arg9[%swap3A_209, %swap3A_210], %swap3A_213 {strides = array<i32>} : memref<2x128xi32, #tpu.memory_space<vmem>>, vector<1x16xi32>,
      %mul3A_214 = arith.constant 16 : i32
      %mul3A_215 = vector.broadcast %mul3A_214 : i32 to vector<16xi32>
      %mul3A_216 = arith.muli %iota3A, %mul3A_215 : vector<16xi32>
      %add3A_217 = vector.broadcast %mul3A_4 : i32 to vector<16xi32>
      %add3A_218 = arith.addi %add3A_217, %mul3A_216 : vector<16xi32>
      %add3A_219 = arith.constant 15 : i32
      %add3A_220 = vector.broadcast %add3A_219 : i32 to vector<16xi32>
      %add3A_221 = arith.addi %add3A_218, %add3A_220 : vector<16xi32>
      %swap3A_222 = arith.constant 1 : i32
      %swap3A_223 = arith.index_cast %swap3A_222 : i32 to index
      %swap3A_224 = arith.constant 112 : index
      %swap3A_225 = tpu.vector_load %arg9[%swap3A_223, %swap3A_224] {strides = array<i32>} : memref<2x128xi32, #tpu.memory_space<vmem>>, vector<1x16xi32>,
      %swap3A_226 = vector.shape_cast %swap3A_225 : vector<1x16xi32> to vector<16xi32>
      %swap3A_227 = vector.shape_cast %add3A_221 : vector<16xi32> to vector<1x16xi32>
      tpu.vector_store %arg9[%swap3A_223, %swap3A_224], %swap3A_227 {strides = array<i32>} : memref<2x128xi32, #tpu.memory_space<vmem>>, vector<1x16xi32>,
      tpu.wait_dma2 semaphore(%arg15 : memref<!tpu.dma_semaphore, #tpu.memory_space<semaphore_mem>>) src(%arg3 : memref<64xi32, #tpu.memory_space<hbm>>) dst(%arg6 : memref<64xi32, #tpu.memory_space<vmem>>)
      tpu.wait_dma2 semaphore(%arg15 : memref<!tpu.dma_semaphore, #tpu.memory_space<semaphore_mem>>) src(%arg4 : memref<64xi32, #tpu.memory_space<hbm>>) dst(%arg7 : memref<64xi32, #tpu.memory_space<vmem>>)
      %get3A = arith.constant 0 : index
      %get3A_228 = tpu.vector_load %arg6[%get3A] {strides = array<i32>} : memref<64xi32, #tpu.memory_space<vmem>>, vector<16xi32>,
      %get3A_229 = vector.shape_cast %get3A_228 : vector<16xi32> to vector<16xi32>
      %get3A_230 = arith.constant 0 : index
      %get3A_231 = tpu.vector_load %arg7[%get3A_230] {strides = array<i32>} : memref<64xi32, #tpu.memory_space<vmem>>, vector<16xi32>,
      %get3A_232 = vector.shape_cast %get3A_231 : vector<16xi32> to vector<16xi32>
      %shift_right_arithmetic3A = arith.constant 3 : i32
      %shift_right_arithmetic3A_233 = vector.broadcast %shift_right_arithmetic3A : i32 to vector<16xi32>
      %shift_right_arithmetic3A_234 = arith.shrsi %get3A_229, %shift_right_arithmetic3A_233 : vector<16xi32>
      %mul3A_235 = arith.constant 4096 : i32
      %mul3A_236 = vector.broadcast %mul3A_235 : i32 to vector<16xi32>
      %mul3A_237 = arith.muli %shift_right_arithmetic3A_234, %mul3A_236 : vector<16xi32>
      %shift_right_arithmetic3A_238 = arith.constant 7 : i32
      %shift_right_arithmetic3A_239 = vector.broadcast %shift_right_arithmetic3A_238 : i32 to vector<16xi32>
      %shift_right_arithmetic3A_240 = arith.shrsi %get3A_232, %shift_right_arithmetic3A_239 : vector<16xi32>
      %mul3A_241 = arith.constant 1024 : i32
      %mul3A_242 = vector.broadcast %mul3A_241 : i32 to vector<16xi32>
      %mul3A_243 = arith.muli %shift_right_arithmetic3A_240, %mul3A_242 : vector<16xi32>
      %add3A_244 = arith.addi %mul3A_237, %mul3A_243 : vector<16xi32>
      %and3A = arith.constant 7 : i32
      %and3A_245 = vector.broadcast %and3A : i32 to vector<16xi32>
      %and3A_246 = arith.andi %get3A_229, %and3A_245 : vector<16xi32>
      %mul3A_247 = arith.constant 128 : i32
      %mul3A_248 = vector.broadcast %mul3A_247 : i32 to vector<16xi32>
      %mul3A_249 = arith.muli %and3A_246, %mul3A_248 : vector<16xi32>
      %add3A_250 = arith.addi %add3A_244, %mul3A_249 : vector<16xi32>
      %and3A_251 = arith.constant 127 : i32
      %and3A_252 = vector.broadcast %and3A_251 : i32 to vector<16xi32>
      %and3A_253 = arith.andi %get3A_232, %and3A_252 : vector<16xi32>
      %add3A_254 = arith.addi %add3A_250, %and3A_253 : vector<16xi32>
      %get3A_255 = arith.constant 16 : index
      %get3A_256 = tpu.vector_load %arg6[%get3A_255] {strides = array<i32>} : memref<64xi32, #tpu.memory_space<vmem>>, vector<16xi32>,
      %get3A_257 = vector.shape_cast %get3A_256 : vector<16xi32> to vector<16xi32>
      %get3A_258 = arith.constant 16 : index
      %get3A_259 = tpu.vector_load %arg7[%get3A_258] {strides = array<i32>} : memref<64xi32, #tpu.memory_space<vmem>>, vector<16xi32>,
      %get3A_260 = vector.shape_cast %get3A_259 : vector<16xi32> to vector<16xi32>
      %shift_right_arithmetic3A_261 = arith.constant 3 : i32
      %shift_right_arithmetic3A_262 = vector.broadcast %shift_right_arithmetic3A_261 : i32 to vector<16xi32>
      %shift_right_arithmetic3A_263 = arith.shrsi %get3A_257, %shift_right_arithmetic3A_262 : vector<16xi32>
      %mul3A_264 = arith.constant 4096 : i32
      %mul3A_265 = vector.broadcast %mul3A_264 : i32 to vector<16xi32>
      %mul3A_266 = arith.muli %shift_right_arithmetic3A_263, %mul3A_265 : vector<16xi32>
      %shift_right_arithmetic3A_267 = arith.constant 7 : i32
      %shift_right_arithmetic3A_268 = vector.broadcast %shift_right_arithmetic3A_267 : i32 to vector<16xi32>
      %shift_right_arithmetic3A_269 = arith.shrsi %get3A_260, %shift_right_arithmetic3A_268 : vector<16xi32>
      %mul3A_270 = arith.constant 1024 : i32
      %mul3A_271 = vector.broadcast %mul3A_270 : i32 to vector<16xi32>
      %mul3A_272 = arith.muli %shift_right_arithmetic3A_269, %mul3A_271 : vector<16xi32>
      %add3A_273 = arith.addi %mul3A_266, %mul3A_272 : vector<16xi32>
      %and3A_274 = arith.constant 7 : i32
      %and3A_275 = vector.broadcast %and3A_274 : i32 to vector<16xi32>
      %and3A_276 = arith.andi %get3A_257, %and3A_275 : vector<16xi32>
      %mul3A_277 = arith.constant 128 : i32
      %mul3A_278 = vector.broadcast %mul3A_277 : i32 to vector<16xi32>
      %mul3A_279 = arith.muli %and3A_276, %mul3A_278 : vector<16xi32>
      %add3A_280 = arith.addi %add3A_273, %mul3A_279 : vector<16xi32>
      %and3A_281 = arith.constant 127 : i32
      %and3A_282 = vector.broadcast %and3A_281 : i32 to vector<16xi32>
      %and3A_283 = arith.andi %get3A_260, %and3A_282 : vector<16xi32>
      %add3A_284 = arith.addi %add3A_280, %and3A_283 : vector<16xi32>
      %get3A_285 = arith.constant 32 : index
      %get3A_286 = tpu.vector_load %arg6[%get3A_285] {strides = array<i32>} : memref<64xi32, #tpu.memory_space<vmem>>, vector<16xi32>,
      %get3A_287 = vector.shape_cast %get3A_286 : vector<16xi32> to vector<16xi32>
      %get3A_288 = arith.constant 32 : index
      %get3A_289 = tpu.vector_load %arg7[%get3A_288] {strides = array<i32>} : memref<64xi32, #tpu.memory_space<vmem>>, vector<16xi32>,
      %get3A_290 = vector.shape_cast %get3A_289 : vector<16xi32> to vector<16xi32>
      %shift_right_arithmetic3A_291 = arith.constant 3 : i32
      %shift_right_arithmetic3A_292 = vector.broadcast %shift_right_arithmetic3A_291 : i32 to vector<16xi32>
      %shift_right_arithmetic3A_293 = arith.shrsi %get3A_287, %shift_right_arithmetic3A_292 : vector<16xi32>
      %mul3A_294 = arith.constant 4096 : i32
      %mul3A_295 = vector.broadcast %mul3A_294 : i32 to vector<16xi32>
      %mul3A_296 = arith.muli %shift_right_arithmetic3A_293, %mul3A_295 : vector<16xi32>
      %shift_right_arithmetic3A_297 = arith.constant 7 : i32
      %shift_right_arithmetic3A_298 = vector.broadcast %shift_right_arithmetic3A_297 : i32 to vector<16xi32>
      %shift_right_arithmetic3A_299 = arith.shrsi %get3A_290, %shift_right_arithmetic3A_298 : vector<16xi32>
      %mul3A_300 = arith.constant 1024 : i32
      %mul3A_301 = vector.broadcast %mul3A_300 : i32 to vector<16xi32>
      %mul3A_302 = arith.muli %shift_right_arithmetic3A_299, %mul3A_301 : vector<16xi32>
      %add3A_303 = arith.addi %mul3A_296, %mul3A_302 : vector<16xi32>
      %and3A_304 = arith.constant 7 : i32
      %and3A_305 = vector.broadcast %and3A_304 : i32 to vector<16xi32>
      %and3A_306 = arith.andi %get3A_287, %and3A_305 : vector<16xi32>
      %mul3A_307 = arith.constant 128 : i32
      %mul3A_308 = vector.broadcast %mul3A_307 : i32 to vector<16xi32>
      %mul3A_309 = arith.muli %and3A_306, %mul3A_308 : vector<16xi32>
      %add3A_310 = arith.addi %add3A_303, %mul3A_309 : vector<16xi32>
      %and3A_311 = arith.constant 127 : i32
      %and3A_312 = vector.broadcast %and3A_311 : i32 to vector<16xi32>
      %and3A_313 = arith.andi %get3A_290, %and3A_312 : vector<16xi32>
      %add3A_314 = arith.addi %add3A_310, %and3A_313 : vector<16xi32>
      %get3A_315 = arith.constant 48 : index
      %get3A_316 = tpu.vector_load %arg6[%get3A_315] {strides = array<i32>} : memref<64xi32, #tpu.memory_space<vmem>>, vector<16xi32>,
      %get3A_317 = vector.shape_cast %get3A_316 : vector<16xi32> to vector<16xi32>
      %get3A_318 = arith.constant 48 : index
      %get3A_319 = tpu.vector_load %arg7[%get3A_318] {strides = array<i32>} : memref<64xi32, #tpu.memory_space<vmem>>, vector<16xi32>,
      %get3A_320 = vector.shape_cast %get3A_319 : vector<16xi32> to vector<16xi32>
      %shift_right_arithmetic3A_321 = arith.constant 3 : i32
      %shift_right_arithmetic3A_322 = vector.broadcast %shift_right_arithmetic3A_321 : i32 to vector<16xi32>
      %shift_right_arithmetic3A_323 = arith.shrsi %get3A_317, %shift_right_arithmetic3A_322 : vector<16xi32>
      %mul3A_324 = arith.constant 4096 : i32
      %mul3A_325 = vector.broadcast %mul3A_324 : i32 to vector<16xi32>
      %mul3A_326 = arith.muli %shift_right_arithmetic3A_323, %mul3A_325 : vector<16xi32>
      %shift_right_arithmetic3A_327 = arith.constant 7 : i32
      %shift_right_arithmetic3A_328 = vector.broadcast %shift_right_arithmetic3A_327 : i32 to vector<16xi32>
      %shift_right_arithmetic3A_329 = arith.shrsi %get3A_320, %shift_right_arithmetic3A_328 : vector<16xi32>
      %mul3A_330 = arith.constant 1024 : i32
      %mul3A_331 = vector.broadcast %mul3A_330 : i32 to vector<16xi32>
      %mul3A_332 = arith.muli %shift_right_arithmetic3A_329, %mul3A_331 : vector<16xi32>
      %add3A_333 = arith.addi %mul3A_326, %mul3A_332 : vector<16xi32>
      %and3A_334 = arith.constant 7 : i32
      %and3A_335 = vector.broadcast %and3A_334 : i32 to vector<16xi32>
      %and3A_336 = arith.andi %get3A_317, %and3A_335 : vector<16xi32>
      %mul3A_337 = arith.constant 128 : i32
      %mul3A_338 = vector.broadcast %mul3A_337 : i32 to vector<16xi32>
      %mul3A_339 = arith.muli %and3A_336, %mul3A_338 : vector<16xi32>
      %add3A_340 = arith.addi %add3A_333, %mul3A_339 : vector<16xi32>
      %and3A_341 = arith.constant 127 : i32
      %and3A_342 = vector.broadcast %and3A_341 : i32 to vector<16xi32>
      %and3A_343 = arith.andi %get3A_320, %and3A_342 : vector<16xi32>
      %add3A_344 = arith.addi %add3A_340, %and3A_343 : vector<16xi32>
      %mul3A_345 = arith.constant 16 : i32
      %mul3A_346 = arith.muli %add3A, %mul3A_345 : i32
      %add3A_347 = arith.constant 0 : i32
      %add3A_348 = arith.addi %mul3A_346, %add3A_347 : i32
      %mul3A_349 = arith.constant 262144 : i32
      %mul3A_350 = arith.muli %add3A_348, %mul3A_349 : i32
      %add3A_351 = vector.broadcast %mul3A_350 : i32 to vector<16xi32>
      %add3A_352 = arith.addi %add3A_351, %add3A_254 : vector<16xi32>
      %swap3A_353 = arith.constant 0 : i32
      %swap3A_354 = arith.index_cast %swap3A_353 : i32 to index
      %swap3A_355 = arith.constant 0 : index
      %swap3A_356 = tpu.vector_load %arg8[%swap3A_354, %swap3A_355] {strides = array<i32>} : memref<8x128xi32, #tpu.memory_space<vmem>>, vector<1x16xi32>,
      %swap3A_357 = vector.shape_cast %swap3A_356 : vector<1x16xi32> to vector<16xi32>
      %swap3A_358 = vector.shape_cast %add3A_352 : vector<16xi32> to vector<1x16xi32>
      tpu.vector_store %arg8[%swap3A_354, %swap3A_355], %swap3A_358 {strides = array<i32>} : memref<8x128xi32, #tpu.memory_space<vmem>>, vector<1x16xi32>,
      %add3A_359 = arith.constant 0 : i32
      %add3A_360 = arith.addi %mul3A_346, %add3A_359 : i32
      %mul3A_361 = arith.constant 262144 : i32
      %mul3A_362 = arith.muli %add3A_360, %mul3A_361 : i32
      %add3A_363 = vector.broadcast %mul3A_362 : i32 to vector<16xi32>
      %add3A_364 = arith.addi %add3A_363, %add3A_284 : vector<16xi32>
      %swap3A_365 = arith.constant 0 : i32
      %swap3A_366 = arith.index_cast %swap3A_365 : i32 to index
      %swap3A_367 = arith.constant 16 : index
      %swap3A_368 = tpu.vector_load %arg8[%swap3A_366, %swap3A_367] {strides = array<i32>} : memref<8x128xi32, #tpu.memory_space<vmem>>, vector<1x16xi32>,
      %swap3A_369 = vector.shape_cast %swap3A_368 : vector<1x16xi32> to vector<16xi32>
      %swap3A_370 = vector.shape_cast %add3A_364 : vector<16xi32> to vector<1x16xi32>
      tpu.vector_store %arg8[%swap3A_366, %swap3A_367], %swap3A_370 {strides = array<i32>} : memref<8x128xi32, #tpu.memory_space<vmem>>, vector<1x16xi32>,
      %add3A_371 = arith.constant 0 : i32
      %add3A_372 = arith.addi %mul3A_346, %add3A_371 : i32
      %mul3A_373 = arith.constant 262144 : i32
      %mul3A_374 = arith.muli %add3A_372, %mul3A_373 : i32
      %add3A_375 = vector.broadcast %mul3A_374 : i32 to vector<16xi32>
      %add3A_376 = arith.addi %add3A_375, %add3A_314 : vector<16xi32>
      %swap3A_377 = arith.constant 0 : i32
      %swap3A_378 = arith.index_cast %swap3A_377 : i32 to index
      %swap3A_379 = arith.constant 32 : index
      %swap3A_380 = tpu.vector_load %arg8[%swap3A_378, %swap3A_379] {strides = array<i32>} : memref<8x128xi32, #tpu.memory_space<vmem>>, vector<1x16xi32>,
      %swap3A_381 = vector.shape_cast %swap3A_380 : vector<1x16xi32> to vector<16xi32>
      %swap3A_382 = vector.shape_cast %add3A_376 : vector<16xi32> to vector<1x16xi32>
      tpu.vector_store %arg8[%swap3A_378, %swap3A_379], %swap3A_382 {strides = array<i32>} : memref<8x128xi32, #tpu.memory_space<vmem>>, vector<1x16xi32>,
      %add3A_383 = arith.constant 0 : i32
      %add3A_384 = arith.addi %mul3A_346, %add3A_383 : i32
      %mul3A_385 = arith.constant 262144 : i32
      %mul3A_386 = arith.muli %add3A_384, %mul3A_385 : i32
      %add3A_387 = vector.broadcast %mul3A_386 : i32 to vector<16xi32>
      %add3A_388 = arith.addi %add3A_387, %add3A_344 : vector<16xi32>
      %swap3A_389 = arith.constant 0 : i32
      %swap3A_390 = arith.index_cast %swap3A_389 : i32 to index
      %swap3A_391 = arith.constant 48 : index
      %swap3A_392 = tpu.vector_load %arg8[%swap3A_390, %swap3A_391] {strides = array<i32>} : memref<8x128xi32, #tpu.memory_space<vmem>>, vector<1x16xi32>,
      %swap3A_393 = vector.shape_cast %swap3A_392 : vector<1x16xi32> to vector<16xi32>
      %swap3A_394 = vector.shape_cast %add3A_388 : vector<16xi32> to vector<1x16xi32>
      tpu.vector_store %arg8[%swap3A_390, %swap3A_391], %swap3A_394 {strides = array<i32>} : memref<8x128xi32, #tpu.memory_space<vmem>>, vector<1x16xi32>,
      %add3A_395 = arith.constant 1 : i32
      %add3A_396 = arith.addi %mul3A_346, %add3A_395 : i32
      %mul3A_397 = arith.constant 262144 : i32
      %mul3A_398 = arith.muli %add3A_396, %mul3A_397 : i32
      %add3A_399 = vector.broadcast %mul3A_398 : i32 to vector<16xi32>
      %add3A_400 = arith.addi %add3A_399, %add3A_254 : vector<16xi32>
      %swap3A_401 = arith.constant 0 : i32
      %swap3A_402 = arith.index_cast %swap3A_401 : i32 to index
      %swap3A_403 = arith.constant 64 : index
      %swap3A_404 = tpu.vector_load %arg8[%swap3A_402, %swap3A_403] {strides = array<i32>} : memref<8x128xi32, #tpu.memory_space<vmem>>, vector<1x16xi32>,
      %swap3A_405 = vector.shape_cast %swap3A_404 : vector<1x16xi32> to vector<16xi32>
      %swap3A_406 = vector.shape_cast %add3A_400 : vector<16xi32> to vector<1x16xi32>
      tpu.vector_store %arg8[%swap3A_402, %swap3A_403], %swap3A_406 {strides = array<i32>} : memref<8x128xi32, #tpu.memory_space<vmem>>, vector<1x16xi32>,
      %add3A_407 = arith.constant 1 : i32
      %add3A_408 = arith.addi %mul3A_346, %add3A_407 : i32
      %mul3A_409 = arith.constant 262144 : i32
      %mul3A_410 = arith.muli %add3A_408, %mul3A_409 : i32
      %add3A_411 = vector.broadcast %mul3A_410 : i32 to vector<16xi32>
      %add3A_412 = arith.addi %add3A_411, %add3A_284 : vector<16xi32>
      %swap3A_413 = arith.constant 0 : i32
      %swap3A_414 = arith.index_cast %swap3A_413 : i32 to index
      %swap3A_415 = arith.constant 80 : index
      %swap3A_416 = tpu.vector_load %arg8[%swap3A_414, %swap3A_415] {strides = array<i32>} : memref<8x128xi32, #tpu.memory_space<vmem>>, vector<1x16xi32>,
      %swap3A_417 = vector.shape_cast %swap3A_416 : vector<1x16xi32> to vector<16xi32>
      %swap3A_418 = vector.shape_cast %add3A_412 : vector<16xi32> to vector<1x16xi32>
      tpu.vector_store %arg8[%swap3A_414, %swap3A_415], %swap3A_418 {strides = array<i32>} : memref<8x128xi32, #tpu.memory_space<vmem>>, vector<1x16xi32>,
      %add3A_419 = arith.constant 1 : i32
      %add3A_420 = arith.addi %mul3A_346, %add3A_419 : i32
      %mul3A_421 = arith.constant 262144 : i32
      %mul3A_422 = arith.muli %add3A_420, %mul3A_421 : i32
      %add3A_423 = vector.broadcast %mul3A_422 : i32 to vector<16xi32>
      %add3A_424 = arith.addi %add3A_423, %add3A_314 : vector<16xi32>
      %swap3A_425 = arith.constant 0 : i32
      %swap3A_426 = arith.index_cast %swap3A_425 : i32 to index
      %swap3A_427 = arith.constant 96 : index
      %swap3A_428 = tpu.vector_load %arg8[%swap3A_426, %swap3A_427] {strides = array<i32>} : memref<8x128xi32, #tpu.memory_space<vmem>>, vector<1x16xi32>,
      %swap3A_429 = vector.shape_cast %swap3A_428 : vector<1x16xi32> to vector<16xi32>
      %swap3A_430 = vector.shape_cast %add3A_424 : vector<16xi32> to vector<1x16xi32>
      tpu.vector_store %arg8[%swap3A_426, %swap3A_427], %swap3A_430 {strides = array<i32>} : memref<8x128xi32, #tpu.memory_space<vmem>>, vector<1x16xi32>,
      %add3A_431 = arith.constant 1 : i32
      %add3A_432 = arith.addi %mul3A_346, %add3A_431 : i32
      %mul3A_433 = arith.constant 262144 : i32
      %mul3A_434 = arith.muli %add3A_432, %mul3A_433 : i32
      %add3A_435 = vector.broadcast %mul3A_434 : i32 to vector<16xi32>
      %add3A_436 = arith.addi %add3A_435, %add3A_344 : vector<16xi32>
      %swap3A_437 = arith.constant 0 : i32
      %swap3A_438 = arith.index_cast %swap3A_437 : i32 to index
      %swap3A_439 = arith.constant 112 : index
      %swap3A_440 = tpu.vector_load %arg8[%swap3A_438, %swap3A_439] {strides = array<i32>} : memref<8x128xi32, #tpu.memory_space<vmem>>, vector<1x16xi32>,
      %swap3A_441 = vector.shape_cast %swap3A_440 : vector<1x16xi32> to vector<16xi32>
      %swap3A_442 = vector.shape_cast %add3A_436 : vector<16xi32> to vector<1x16xi32>
      tpu.vector_store %arg8[%swap3A_438, %swap3A_439], %swap3A_442 {strides = array<i32>} : memref<8x128xi32, #tpu.memory_space<vmem>>, vector<1x16xi32>,
      %dma_start3A = arith.constant 0 : i32
      %dma_start3A_443 = arith.constant 0 : i32
      %dma_start3A_444 = tpu.memref_slice %arg10[%dma_start3A_443] : memref<1024xf32, #tpu.memory_space<vmem>> -> memref<128xf32, #tpu.memory_space<vmem>>
      %dma_start3A_445 = arith.constant 0 : i32
      %dma_start3A_446 = tpu.memref_slice %arg8[%dma_start3A, %dma_start3A_445] : memref<8x128xi32, #tpu.memory_space<vmem>> -> memref<1x128xi32, #tpu.memory_space<vmem>>
      %dma_start3A_447 = tpu.memref_squeeze %dma_start3A_446 : memref<1x128xi32, #tpu.memory_space<vmem>> -> memref<128xi32, #tpu.memory_space<vmem>>
      %dma_start3A_448 = arith.constant 0 : i32
      %dma_start3A_449 = tpu.memref_slice %arg2[%dma_start3A_448] : memref<100663296xf32, #tpu.memory_space<hbm>> -> memref<100663296xf32, #tpu.memory_space<hbm>>
      tpu.enqueue_indirect_dma source(%dma_start3A_449 : memref<100663296xf32, #tpu.memory_space<hbm>>) target(%dma_start3A_444 : memref<128xf32, #tpu.memory_space<vmem>>) offsets(%dma_start3A_447 : memref<128xi32, #tpu.memory_space<vmem>>) semaphore(%arg15 : memref<!tpu.dma_semaphore, #tpu.memory_space<semaphore_mem>>)
      %add3A_450 = arith.constant 2 : i32
      %add3A_451 = arith.addi %mul3A_346, %add3A_450 : i32
      %mul3A_452 = arith.constant 262144 : i32
      %mul3A_453 = arith.muli %add3A_451, %mul3A_452 : i32
      %add3A_454 = vector.broadcast %mul3A_453 : i32 to vector<16xi32>
      %add3A_455 = arith.addi %add3A_454, %add3A_254 : vector<16xi32>
      %swap3A_456 = arith.constant 1 : i32
      %swap3A_457 = arith.index_cast %swap3A_456 : i32 to index
      %swap3A_458 = arith.constant 0 : index
      %swap3A_459 = tpu.vector_load %arg8[%swap3A_457, %swap3A_458] {strides = array<i32>} : memref<8x128xi32, #tpu.memory_space<vmem>>, vector<1x16xi32>,
      %swap3A_460 = vector.shape_cast %swap3A_459 : vector<1x16xi32> to vector<16xi32>
      %swap3A_461 = vector.shape_cast %add3A_455 : vector<16xi32> to vector<1x16xi32>
      tpu.vector_store %arg8[%swap3A_457, %swap3A_458], %swap3A_461 {strides = array<i32>} : memref<8x128xi32, #tpu.memory_space<vmem>>, vector<1x16xi32>,
      %add3A_462 = arith.constant 2 : i32
      %add3A_463 = arith.addi %mul3A_346, %add3A_462 : i32
      %mul3A_464 = arith.constant 262144 : i32
      %mul3A_465 = arith.muli %add3A_463, %mul3A_464 : i32
      %add3A_466 = vector.broadcast %mul3A_465 : i32 to vector<16xi32>
      %add3A_467 = arith.addi %add3A_466, %add3A_284 : vector<16xi32>
      %swap3A_468 = arith.constant 1 : i32
      %swap3A_469 = arith.index_cast %swap3A_468 : i32 to index
      %swap3A_470 = arith.constant 16 : index
      %swap3A_471 = tpu.vector_load %arg8[%swap3A_469, %swap3A_470] {strides = array<i32>} : memref<8x128xi32, #tpu.memory_space<vmem>>, vector<1x16xi32>,
      %swap3A_472 = vector.shape_cast %swap3A_471 : vector<1x16xi32> to vector<16xi32>
      %swap3A_473 = vector.shape_cast %add3A_467 : vector<16xi32> to vector<1x16xi32>
      tpu.vector_store %arg8[%swap3A_469, %swap3A_470], %swap3A_473 {strides = array<i32>} : memref<8x128xi32, #tpu.memory_space<vmem>>, vector<1x16xi32>,
      %add3A_474 = arith.constant 2 : i32
      %add3A_475 = arith.addi %mul3A_346, %add3A_474 : i32
      %mul3A_476 = arith.constant 262144 : i32
      %mul3A_477 = arith.muli %add3A_475, %mul3A_476 : i32
      %add3A_478 = vector.broadcast %mul3A_477 : i32 to vector<16xi32>
      %add3A_479 = arith.addi %add3A_478, %add3A_314 : vector<16xi32>
      %swap3A_480 = arith.constant 1 : i32
      %swap3A_481 = arith.index_cast %swap3A_480 : i32 to index
      %swap3A_482 = arith.constant 32 : index
      %swap3A_483 = tpu.vector_load %arg8[%swap3A_481, %swap3A_482] {strides = array<i32>} : memref<8x128xi32, #tpu.memory_space<vmem>>, vector<1x16xi32>,
      %swap3A_484 = vector.shape_cast %swap3A_483 : vector<1x16xi32> to vector<16xi32>
      %swap3A_485 = vector.shape_cast %add3A_479 : vector<16xi32> to vector<1x16xi32>
      tpu.vector_store %arg8[%swap3A_481, %swap3A_482], %swap3A_485 {strides = array<i32>} : memref<8x128xi32, #tpu.memory_space<vmem>>, vector<1x16xi32>,
      %add3A_486 = arith.constant 2 : i32
      %add3A_487 = arith.addi %mul3A_346, %add3A_486 : i32
      %mul3A_488 = arith.constant 262144 : i32
      %mul3A_489 = arith.muli %add3A_487, %mul3A_488 : i32
      %add3A_490 = vector.broadcast %mul3A_489 : i32 to vector<16xi32>
      %add3A_491 = arith.addi %add3A_490, %add3A_344 : vector<16xi32>
      %swap3A_492 = arith.constant 1 : i32
      %swap3A_493 = arith.index_cast %swap3A_492 : i32 to index
      %swap3A_494 = arith.constant 48 : index
      %swap3A_495 = tpu.vector_load %arg8[%swap3A_493, %swap3A_494] {strides = array<i32>} : memref<8x128xi32, #tpu.memory_space<vmem>>, vector<1x16xi32>,
      %swap3A_496 = vector.shape_cast %swap3A_495 : vector<1x16xi32> to vector<16xi32>
      %swap3A_497 = vector.shape_cast %add3A_491 : vector<16xi32> to vector<1x16xi32>
      tpu.vector_store %arg8[%swap3A_493, %swap3A_494], %swap3A_497 {strides = array<i32>} : memref<8x128xi32, #tpu.memory_space<vmem>>, vector<1x16xi32>,
      %add3A_498 = arith.constant 3 : i32
      %add3A_499 = arith.addi %mul3A_346, %add3A_498 : i32
      %mul3A_500 = arith.constant 262144 : i32
      %mul3A_501 = arith.muli %add3A_499, %mul3A_500 : i32
      %add3A_502 = vector.broadcast %mul3A_501 : i32 to vector<16xi32>
      %add3A_503 = arith.addi %add3A_502, %add3A_254 : vector<16xi32>
      %swap3A_504 = arith.constant 1 : i32
      %swap3A_505 = arith.index_cast %swap3A_504 : i32 to index
      %swap3A_506 = arith.constant 64 : index
      %swap3A_507 = tpu.vector_load %arg8[%swap3A_505, %swap3A_506] {strides = array<i32>} : memref<8x128xi32, #tpu.memory_space<vmem>>, vector<1x16xi32>,
      %swap3A_508 = vector.shape_cast %swap3A_507 : vector<1x16xi32> to vector<16xi32>
      %swap3A_509 = vector.shape_cast %add3A_503 : vector<16xi32> to vector<1x16xi32>
      tpu.vector_store %arg8[%swap3A_505, %swap3A_506], %swap3A_509 {strides = array<i32>} : memref<8x128xi32, #tpu.memory_space<vmem>>, vector<1x16xi32>,
      %add3A_510 = arith.constant 3 : i32
      %add3A_511 = arith.addi %mul3A_346, %add3A_510 : i32
      %mul3A_512 = arith.constant 262144 : i32
      %mul3A_513 = arith.muli %add3A_511, %mul3A_512 : i32
      %add3A_514 = vector.broadcast %mul3A_513 : i32 to vector<16xi32>
      %add3A_515 = arith.addi %add3A_514, %add3A_284 : vector<16xi32>
      %swap3A_516 = arith.constant 1 : i32
      %swap3A_517 = arith.index_cast %swap3A_516 : i32 to index
      %swap3A_518 = arith.constant 80 : index
      %swap3A_519 = tpu.vector_load %arg8[%swap3A_517, %swap3A_518] {strides = array<i32>} : memref<8x128xi32, #tpu.memory_space<vmem>>, vector<1x16xi32>,
      %swap3A_520 = vector.shape_cast %swap3A_519 : vector<1x16xi32> to vector<16xi32>
      %swap3A_521 = vector.shape_cast %add3A_515 : vector<16xi32> to vector<1x16xi32>
      tpu.vector_store %arg8[%swap3A_517, %swap3A_518], %swap3A_521 {strides = array<i32>} : memref<8x128xi32, #tpu.memory_space<vmem>>, vector<1x16xi32>,
      %add3A_522 = arith.constant 3 : i32
      %add3A_523 = arith.addi %mul3A_346, %add3A_522 : i32
      %mul3A_524 = arith.constant 262144 : i32
      %mul3A_525 = arith.muli %add3A_523, %mul3A_524 : i32
      %add3A_526 = vector.broadcast %mul3A_525 : i32 to vector<16xi32>
      %add3A_527 = arith.addi %add3A_526, %add3A_314 : vector<16xi32>
      %swap3A_528 = arith.constant 1 : i32
      %swap3A_529 = arith.index_cast %swap3A_528 : i32 to index
      %swap3A_530 = arith.constant 96 : index
      %swap3A_531 = tpu.vector_load %arg8[%swap3A_529, %swap3A_530] {strides = array<i32>} : memref<8x128xi32, #tpu.memory_space<vmem>>, vector<1x16xi32>,
      %swap3A_532 = vector.shape_cast %swap3A_531 : vector<1x16xi32> to vector<16xi32>
      %swap3A_533 = vector.shape_cast %add3A_527 : vector<16xi32> to vector<1x16xi32>
      tpu.vector_store %arg8[%swap3A_529, %swap3A_530], %swap3A_533 {strides = array<i32>} : memref<8x128xi32, #tpu.memory_space<vmem>>, vector<1x16xi32>,
      %add3A_534 = arith.constant 3 : i32
      %add3A_535 = arith.addi %mul3A_346, %add3A_534 : i32
      %mul3A_536 = arith.constant 262144 : i32
      %mul3A_537 = arith.muli %add3A_535, %mul3A_536 : i32
      %add3A_538 = vector.broadcast %mul3A_537 : i32 to vector<16xi32>
      %add3A_539 = arith.addi %add3A_538, %add3A_344 : vector<16xi32>
      %swap3A_540 = arith.constant 1 : i32
      %swap3A_541 = arith.index_cast %swap3A_540 : i32 to index
      %swap3A_542 = arith.constant 112 : index
      %swap3A_543 = tpu.vector_load %arg8[%swap3A_541, %swap3A_542] {strides = array<i32>} : memref<8x128xi32, #tpu.memory_space<vmem>>, vector<1x16xi32>,
      %swap3A_544 = vector.shape_cast %swap3A_543 : vector<1x16xi32> to vector<16xi32>
      %swap3A_545 = vector.shape_cast %add3A_539 : vector<16xi32> to vector<1x16xi32>
      tpu.vector_store %arg8[%swap3A_541, %swap3A_542], %swap3A_545 {strides = array<i32>} : memref<8x128xi32, #tpu.memory_space<vmem>>, vector<1x16xi32>,
      %dma_start3A_546 = arith.constant 1 : i32
      %dma_start3A_547 = arith.constant 128 : i32
      %dma_start3A_548 = tpu.memref_slice %arg10[%dma_start3A_547] : memref<1024xf32, #tpu.memory_space<vmem>> -> memref<128xf32, #tpu.memory_space<vmem>>
      %dma_start3A_549 = arith.constant 0 : i32
      %dma_start3A_550 = tpu.memref_slice %arg8[%dma_start3A_546, %dma_start3A_549] : memref<8x128xi32, #tpu.memory_space<vmem>> -> memref<1x128xi32, #tpu.memory_space<vmem>>
      %dma_start3A_551 = tpu.memref_squeeze %dma_start3A_550 : memref<1x128xi32, #tpu.memory_space<vmem>> -> memref<128xi32, #tpu.memory_space<vmem>>
      %dma_start3A_552 = arith.constant 0 : i32
      %dma_start3A_553 = tpu.memref_slice %arg2[%dma_start3A_552] : memref<100663296xf32, #tpu.memory_space<hbm>> -> memref<100663296xf32, #tpu.memory_space<hbm>>
      tpu.enqueue_indirect_dma source(%dma_start3A_553 : memref<100663296xf32, #tpu.memory_space<hbm>>) target(%dma_start3A_548 : memref<128xf32, #tpu.memory_space<vmem>>) offsets(%dma_start3A_551 : memref<128xi32, #tpu.memory_space<vmem>>) semaphore(%arg15 : memref<!tpu.dma_semaphore, #tpu.memory_space<semaphore_mem>>)
      %add3A_554 = arith.constant 4 : i32
      %add3A_555 = arith.addi %mul3A_346, %add3A_554 : i32
      %mul3A_556 = arith.constant 262144 : i32
      %mul3A_557 = arith.muli %add3A_555, %mul3A_556 : i32
      %add3A_558 = vector.broadcast %mul3A_557 : i32 to vector<16xi32>
      %add3A_559 = arith.addi %add3A_558, %add3A_254 : vector<16xi32>
      %swap3A_560 = arith.constant 2 : i32
      %swap3A_561 = arith.index_cast %swap3A_560 : i32 to index
      %swap3A_562 = arith.constant 0 : index
      %swap3A_563 = tpu.vector_load %arg8[%swap3A_561, %swap3A_562] {strides = array<i32>} : memref<8x128xi32, #tpu.memory_space<vmem>>, vector<1x16xi32>,
      %swap3A_564 = vector.shape_cast %swap3A_563 : vector<1x16xi32> to vector<16xi32>
      %swap3A_565 = vector.shape_cast %add3A_559 : vector<16xi32> to vector<1x16xi32>
      tpu.vector_store %arg8[%swap3A_561, %swap3A_562], %swap3A_565 {strides = array<i32>} : memref<8x128xi32, #tpu.memory_space<vmem>>, vector<1x16xi32>,
      %add3A_566 = arith.constant 4 : i32
      %add3A_567 = arith.addi %mul3A_346, %add3A_566 : i32
      %mul3A_568 = arith.constant 262144 : i32
      %mul3A_569 = arith.muli %add3A_567, %mul3A_568 : i32
      %add3A_570 = vector.broadcast %mul3A_569 : i32 to vector<16xi32>
      %add3A_571 = arith.addi %add3A_570, %add3A_284 : vector<16xi32>
      %swap3A_572 = arith.constant 2 : i32
      %swap3A_573 = arith.index_cast %swap3A_572 : i32 to index
      %swap3A_574 = arith.constant 16 : index
      %swap3A_575 = tpu.vector_load %arg8[%swap3A_573, %swap3A_574] {strides = array<i32>} : memref<8x128xi32, #tpu.memory_space<vmem>>, vector<1x16xi32>,
      %swap3A_576 = vector.shape_cast %swap3A_575 : vector<1x16xi32> to vector<16xi32>
      %swap3A_577 = vector.shape_cast %add3A_571 : vector<16xi32> to vector<1x16xi32>
      tpu.vector_store %arg8[%swap3A_573, %swap3A_574], %swap3A_577 {strides = array<i32>} : memref<8x128xi32, #tpu.memory_space<vmem>>, vector<1x16xi32>,
      %add3A_578 = arith.constant 4 : i32
      %add3A_579 = arith.addi %mul3A_346, %add3A_578 : i32
      %mul3A_580 = arith.constant 262144 : i32
      %mul3A_581 = arith.muli %add3A_579, %mul3A_580 : i32
      %add3A_582 = vector.broadcast %mul3A_581 : i32 to vector<16xi32>
      %add3A_583 = arith.addi %add3A_582, %add3A_314 : vector<16xi32>
      %swap3A_584 = arith.constant 2 : i32
      %swap3A_585 = arith.index_cast %swap3A_584 : i32 to index
      %swap3A_586 = arith.constant 32 : index
      %swap3A_587 = tpu.vector_load %arg8[%swap3A_585, %swap3A_586] {strides = array<i32>} : memref<8x128xi32, #tpu.memory_space<vmem>>, vector<1x16xi32>,
      %swap3A_588 = vector.shape_cast %swap3A_587 : vector<1x16xi32> to vector<16xi32>
      %swap3A_589 = vector.shape_cast %add3A_583 : vector<16xi32> to vector<1x16xi32>
      tpu.vector_store %arg8[%swap3A_585, %swap3A_586], %swap3A_589 {strides = array<i32>} : memref<8x128xi32, #tpu.memory_space<vmem>>, vector<1x16xi32>,
      %add3A_590 = arith.constant 4 : i32
      %add3A_591 = arith.addi %mul3A_346, %add3A_590 : i32
      %mul3A_592 = arith.constant 262144 : i32
      %mul3A_593 = arith.muli %add3A_591, %mul3A_592 : i32
      %add3A_594 = vector.broadcast %mul3A_593 : i32 to vector<16xi32>
      %add3A_595 = arith.addi %add3A_594, %add3A_344 : vector<16xi32>
      %swap3A_596 = arith.constant 2 : i32
      %swap3A_597 = arith.index_cast %swap3A_596 : i32 to index
      %swap3A_598 = arith.constant 48 : index
      %swap3A_599 = tpu.vector_load %arg8[%swap3A_597, %swap3A_598] {strides = array<i32>} : memref<8x128xi32, #tpu.memory_space<vmem>>, vector<1x16xi32>,
      %swap3A_600 = vector.shape_cast %swap3A_599 : vector<1x16xi32> to vector<16xi32>
      %swap3A_601 = vector.shape_cast %add3A_595 : vector<16xi32> to vector<1x16xi32>
      tpu.vector_store %arg8[%swap3A_597, %swap3A_598], %swap3A_601 {strides = array<i32>} : memref<8x128xi32, #tpu.memory_space<vmem>>, vector<1x16xi32>,
      %add3A_602 = arith.constant 5 : i32
      %add3A_603 = arith.addi %mul3A_346, %add3A_602 : i32
      %mul3A_604 = arith.constant 262144 : i32
      %mul3A_605 = arith.muli %add3A_603, %mul3A_604 : i32
      %add3A_606 = vector.broadcast %mul3A_605 : i32 to vector<16xi32>
      %add3A_607 = arith.addi %add3A_606, %add3A_254 : vector<16xi32>
      %swap3A_608 = arith.constant 2 : i32
      %swap3A_609 = arith.index_cast %swap3A_608 : i32 to index
      %swap3A_610 = arith.constant 64 : index
      %swap3A_611 = tpu.vector_load %arg8[%swap3A_609, %swap3A_610] {strides = array<i32>} : memref<8x128xi32, #tpu.memory_space<vmem>>, vector<1x16xi32>,
      %swap3A_612 = vector.shape_cast %swap3A_611 : vector<1x16xi32> to vector<16xi32>
      %swap3A_613 = vector.shape_cast %add3A_607 : vector<16xi32> to vector<1x16xi32>
      tpu.vector_store %arg8[%swap3A_609, %swap3A_610], %swap3A_613 {strides = array<i32>} : memref<8x128xi32, #tpu.memory_space<vmem>>, vector<1x16xi32>,
      %add3A_614 = arith.constant 5 : i32
      %add3A_615 = arith.addi %mul3A_346, %add3A_614 : i32
      %mul3A_616 = arith.constant 262144 : i32
      %mul3A_617 = arith.muli %add3A_615, %mul3A_616 : i32
      %add3A_618 = vector.broadcast %mul3A_617 : i32 to vector<16xi32>
      %add3A_619 = arith.addi %add3A_618, %add3A_284 : vector<16xi32>
      %swap3A_620 = arith.constant 2 : i32
      %swap3A_621 = arith.index_cast %swap3A_620 : i32 to index
      %swap3A_622 = arith.constant 80 : index
      %swap3A_623 = tpu.vector_load %arg8[%swap3A_621, %swap3A_622] {strides = array<i32>} : memref<8x128xi32, #tpu.memory_space<vmem>>, vector<1x16xi32>,
      %swap3A_624 = vector.shape_cast %swap3A_623 : vector<1x16xi32> to vector<16xi32>
      %swap3A_625 = vector.shape_cast %add3A_619 : vector<16xi32> to vector<1x16xi32>
      tpu.vector_store %arg8[%swap3A_621, %swap3A_622], %swap3A_625 {strides = array<i32>} : memref<8x128xi32, #tpu.memory_space<vmem>>, vector<1x16xi32>,
      %add3A_626 = arith.constant 5 : i32
      %add3A_627 = arith.addi %mul3A_346, %add3A_626 : i32
      %mul3A_628 = arith.constant 262144 : i32
      %mul3A_629 = arith.muli %add3A_627, %mul3A_628 : i32
      %add3A_630 = vector.broadcast %mul3A_629 : i32 to vector<16xi32>
      %add3A_631 = arith.addi %add3A_630, %add3A_314 : vector<16xi32>
      %swap3A_632 = arith.constant 2 : i32
      %swap3A_633 = arith.index_cast %swap3A_632 : i32 to index
      %swap3A_634 = arith.constant 96 : index
      %swap3A_635 = tpu.vector_load %arg8[%swap3A_633, %swap3A_634] {strides = array<i32>} : memref<8x128xi32, #tpu.memory_space<vmem>>, vector<1x16xi32>,
      %swap3A_636 = vector.shape_cast %swap3A_635 : vector<1x16xi32> to vector<16xi32>
      %swap3A_637 = vector.shape_cast %add3A_631 : vector<16xi32> to vector<1x16xi32>
      tpu.vector_store %arg8[%swap3A_633, %swap3A_634], %swap3A_637 {strides = array<i32>} : memref<8x128xi32, #tpu.memory_space<vmem>>, vector<1x16xi32>,
      %add3A_638 = arith.constant 5 : i32
      %add3A_639 = arith.addi %mul3A_346, %add3A_638 : i32
      %mul3A_640 = arith.constant 262144 : i32
      %mul3A_641 = arith.muli %add3A_639, %mul3A_640 : i32
      %add3A_642 = vector.broadcast %mul3A_641 : i32 to vector<16xi32>
      %add3A_643 = arith.addi %add3A_642, %add3A_344 : vector<16xi32>
      %swap3A_644 = arith.constant 2 : i32
      %swap3A_645 = arith.index_cast %swap3A_644 : i32 to index
      %swap3A_646 = arith.constant 112 : index
      %swap3A_647 = tpu.vector_load %arg8[%swap3A_645, %swap3A_646] {strides = array<i32>} : memref<8x128xi32, #tpu.memory_space<vmem>>, vector<1x16xi32>,
      %swap3A_648 = vector.shape_cast %swap3A_647 : vector<1x16xi32> to vector<16xi32>
      %swap3A_649 = vector.shape_cast %add3A_643 : vector<16xi32> to vector<1x16xi32>
      tpu.vector_store %arg8[%swap3A_645, %swap3A_646], %swap3A_649 {strides = array<i32>} : memref<8x128xi32, #tpu.memory_space<vmem>>, vector<1x16xi32>,
      %dma_start3A_650 = arith.constant 2 : i32
      %dma_start3A_651 = arith.constant 256 : i32
      %dma_start3A_652 = tpu.memref_slice %arg10[%dma_start3A_651] : memref<1024xf32, #tpu.memory_space<vmem>> -> memref<128xf32, #tpu.memory_space<vmem>>
      %dma_start3A_653 = arith.constant 0 : i32
      %dma_start3A_654 = tpu.memref_slice %arg8[%dma_start3A_650, %dma_start3A_653] : memref<8x128xi32, #tpu.memory_space<vmem>> -> memref<1x128xi32, #tpu.memory_space<vmem>>
      %dma_start3A_655 = tpu.memref_squeeze %dma_start3A_654 : memref<1x128xi32, #tpu.memory_space<vmem>> -> memref<128xi32, #tpu.memory_space<vmem>>
      %dma_start3A_656 = arith.constant 0 : i32
      %dma_start3A_657 = tpu.memref_slice %arg2[%dma_start3A_656] : memref<100663296xf32, #tpu.memory_space<hbm>> -> memref<100663296xf32, #tpu.memory_space<hbm>>
      tpu.enqueue_indirect_dma source(%dma_start3A_657 : memref<100663296xf32, #tpu.memory_space<hbm>>) target(%dma_start3A_652 : memref<128xf32, #tpu.memory_space<vmem>>) offsets(%dma_start3A_655 : memref<128xi32, #tpu.memory_space<vmem>>) semaphore(%arg15 : memref<!tpu.dma_semaphore, #tpu.memory_space<semaphore_mem>>)
      %add3A_658 = arith.constant 6 : i32
      %add3A_659 = arith.addi %mul3A_346, %add3A_658 : i32
      %mul3A_660 = arith.constant 262144 : i32
      %mul3A_661 = arith.muli %add3A_659, %mul3A_660 : i32
      %add3A_662 = vector.broadcast %mul3A_661 : i32 to vector<16xi32>
      %add3A_663 = arith.addi %add3A_662, %add3A_254 : vector<16xi32>
      %swap3A_664 = arith.constant 3 : i32
      %swap3A_665 = arith.index_cast %swap3A_664 : i32 to index
      %swap3A_666 = arith.constant 0 : index
      %swap3A_667 = tpu.vector_load %arg8[%swap3A_665, %swap3A_666] {strides = array<i32>} : memref<8x128xi32, #tpu.memory_space<vmem>>, vector<1x16xi32>,
      %swap3A_668 = vector.shape_cast %swap3A_667 : vector<1x16xi32> to vector<16xi32>
      %swap3A_669 = vector.shape_cast %add3A_663 : vector<16xi32> to vector<1x16xi32>
      tpu.vector_store %arg8[%swap3A_665, %swap3A_666], %swap3A_669 {strides = array<i32>} : memref<8x128xi32, #tpu.memory_space<vmem>>, vector<1x16xi32>,
      %add3A_670 = arith.constant 6 : i32
      %add3A_671 = arith.addi %mul3A_346, %add3A_670 : i32
      %mul3A_672 = arith.constant 262144 : i32
      %mul3A_673 = arith.muli %add3A_671, %mul3A_672 : i32
      %add3A_674 = vector.broadcast %mul3A_673 : i32 to vector<16xi32>
      %add3A_675 = arith.addi %add3A_674, %add3A_284 : vector<16xi32>
      %swap3A_676 = arith.constant 3 : i32
      %swap3A_677 = arith.index_cast %swap3A_676 : i32 to index
      %swap3A_678 = arith.constant 16 : index
      %swap3A_679 = tpu.vector_load %arg8[%swap3A_677, %swap3A_678] {strides = array<i32>} : memref<8x128xi32, #tpu.memory_space<vmem>>, vector<1x16xi32>,
      %swap3A_680 = vector.shape_cast %swap3A_679 : vector<1x16xi32> to vector<16xi32>
      %swap3A_681 = vector.shape_cast %add3A_675 : vector<16xi32> to vector<1x16xi32>
      tpu.vector_store %arg8[%swap3A_677, %swap3A_678], %swap3A_681 {strides = array<i32>} : memref<8x128xi32, #tpu.memory_space<vmem>>, vector<1x16xi32>,
      %add3A_682 = arith.constant 6 : i32
      %add3A_683 = arith.addi %mul3A_346, %add3A_682 : i32
      %mul3A_684 = arith.constant 262144 : i32
      %mul3A_685 = arith.muli %add3A_683, %mul3A_684 : i32
      %add3A_686 = vector.broadcast %mul3A_685 : i32 to vector<16xi32>
      %add3A_687 = arith.addi %add3A_686, %add3A_314 : vector<16xi32>
      %swap3A_688 = arith.constant 3 : i32
      %swap3A_689 = arith.index_cast %swap3A_688 : i32 to index
      %swap3A_690 = arith.constant 32 : index
      %swap3A_691 = tpu.vector_load %arg8[%swap3A_689, %swap3A_690] {strides = array<i32>} : memref<8x128xi32, #tpu.memory_space<vmem>>, vector<1x16xi32>,
      %swap3A_692 = vector.shape_cast %swap3A_691 : vector<1x16xi32> to vector<16xi32>
      %swap3A_693 = vector.shape_cast %add3A_687 : vector<16xi32> to vector<1x16xi32>
      tpu.vector_store %arg8[%swap3A_689, %swap3A_690], %swap3A_693 {strides = array<i32>} : memref<8x128xi32, #tpu.memory_space<vmem>>, vector<1x16xi32>,
      %add3A_694 = arith.constant 6 : i32
      %add3A_695 = arith.addi %mul3A_346, %add3A_694 : i32
      %mul3A_696 = arith.constant 262144 : i32
      %mul3A_697 = arith.muli %add3A_695, %mul3A_696 : i32
      %add3A_698 = vector.broadcast %mul3A_697 : i32 to vector<16xi32>
      %add3A_699 = arith.addi %add3A_698, %add3A_344 : vector<16xi32>
      %swap3A_700 = arith.constant 3 : i32
      %swap3A_701 = arith.index_cast %swap3A_700 : i32 to index
      %swap3A_702 = arith.constant 48 : index
      %swap3A_703 = tpu.vector_load %arg8[%swap3A_701, %swap3A_702] {strides = array<i32>} : memref<8x128xi32, #tpu.memory_space<vmem>>, vector<1x16xi32>,
      %swap3A_704 = vector.shape_cast %swap3A_703 : vector<1x16xi32> to vector<16xi32>
      %swap3A_705 = vector.shape_cast %add3A_699 : vector<16xi32> to vector<1x16xi32>
      tpu.vector_store %arg8[%swap3A_701, %swap3A_702], %swap3A_705 {strides = array<i32>} : memref<8x128xi32, #tpu.memory_space<vmem>>, vector<1x16xi32>,
      %add3A_706 = arith.constant 7 : i32
      %add3A_707 = arith.addi %mul3A_346, %add3A_706 : i32
      %mul3A_708 = arith.constant 262144 : i32
      %mul3A_709 = arith.muli %add3A_707, %mul3A_708 : i32
      %add3A_710 = vector.broadcast %mul3A_709 : i32 to vector<16xi32>
      %add3A_711 = arith.addi %add3A_710, %add3A_254 : vector<16xi32>
      %swap3A_712 = arith.constant 3 : i32
      %swap3A_713 = arith.index_cast %swap3A_712 : i32 to index
      %swap3A_714 = arith.constant 64 : index
      %swap3A_715 = tpu.vector_load %arg8[%swap3A_713, %swap3A_714] {strides = array<i32>} : memref<8x128xi32, #tpu.memory_space<vmem>>, vector<1x16xi32>,
      %swap3A_716 = vector.shape_cast %swap3A_715 : vector<1x16xi32> to vector<16xi32>
      %swap3A_717 = vector.shape_cast %add3A_711 : vector<16xi32> to vector<1x16xi32>
      tpu.vector_store %arg8[%swap3A_713, %swap3A_714], %swap3A_717 {strides = array<i32>} : memref<8x128xi32, #tpu.memory_space<vmem>>, vector<1x16xi32>,
      %add3A_718 = arith.constant 7 : i32
      %add3A_719 = arith.addi %mul3A_346, %add3A_718 : i32
      %mul3A_720 = arith.constant 262144 : i32
      %mul3A_721 = arith.muli %add3A_719, %mul3A_720 : i32
      %add3A_722 = vector.broadcast %mul3A_721 : i32 to vector<16xi32>
      %add3A_723 = arith.addi %add3A_722, %add3A_284 : vector<16xi32>
      %swap3A_724 = arith.constant 3 : i32
      %swap3A_725 = arith.index_cast %swap3A_724 : i32 to index
      %swap3A_726 = arith.constant 80 : index
      %swap3A_727 = tpu.vector_load %arg8[%swap3A_725, %swap3A_726] {strides = array<i32>} : memref<8x128xi32, #tpu.memory_space<vmem>>, vector<1x16xi32>,
      %swap3A_728 = vector.shape_cast %swap3A_727 : vector<1x16xi32> to vector<16xi32>
      %swap3A_729 = vector.shape_cast %add3A_723 : vector<16xi32> to vector<1x16xi32>
      tpu.vector_store %arg8[%swap3A_725, %swap3A_726], %swap3A_729 {strides = array<i32>} : memref<8x128xi32, #tpu.memory_space<vmem>>, vector<1x16xi32>,
      %add3A_730 = arith.constant 7 : i32
      %add3A_731 = arith.addi %mul3A_346, %add3A_730 : i32
      %mul3A_732 = arith.constant 262144 : i32
      %mul3A_733 = arith.muli %add3A_731, %mul3A_732 : i32
      %add3A_734 = vector.broadcast %mul3A_733 : i32 to vector<16xi32>
      %add3A_735 = arith.addi %add3A_734, %add3A_314 : vector<16xi32>
      %swap3A_736 = arith.constant 3 : i32
      %swap3A_737 = arith.index_cast %swap3A_736 : i32 to index
      %swap3A_738 = arith.constant 96 : index
      %swap3A_739 = tpu.vector_load %arg8[%swap3A_737, %swap3A_738] {strides = array<i32>} : memref<8x128xi32, #tpu.memory_space<vmem>>, vector<1x16xi32>,
      %swap3A_740 = vector.shape_cast %swap3A_739 : vector<1x16xi32> to vector<16xi32>
      %swap3A_741 = vector.shape_cast %add3A_735 : vector<16xi32> to vector<1x16xi32>
      tpu.vector_store %arg8[%swap3A_737, %swap3A_738], %swap3A_741 {strides = array<i32>} : memref<8x128xi32, #tpu.memory_space<vmem>>, vector<1x16xi32>,
      %add3A_742 = arith.constant 7 : i32
      %add3A_743 = arith.addi %mul3A_346, %add3A_742 : i32
      %mul3A_744 = arith.constant 262144 : i32
      %mul3A_745 = arith.muli %add3A_743, %mul3A_744 : i32
      %add3A_746 = vector.broadcast %mul3A_745 : i32 to vector<16xi32>
      %add3A_747 = arith.addi %add3A_746, %add3A_344 : vector<16xi32>
      %swap3A_748 = arith.constant 3 : i32
      %swap3A_749 = arith.index_cast %swap3A_748 : i32 to index
      %swap3A_750 = arith.constant 112 : index
      %swap3A_751 = tpu.vector_load %arg8[%swap3A_749, %swap3A_750] {strides = array<i32>} : memref<8x128xi32, #tpu.memory_space<vmem>>, vector<1x16xi32>,
      %swap3A_752 = vector.shape_cast %swap3A_751 : vector<1x16xi32> to vector<16xi32>
      %swap3A_753 = vector.shape_cast %add3A_747 : vector<16xi32> to vector<1x16xi32>
      tpu.vector_store %arg8[%swap3A_749, %swap3A_750], %swap3A_753 {strides = array<i32>} : memref<8x128xi32, #tpu.memory_space<vmem>>, vector<1x16xi32>,
      %dma_start3A_754 = arith.constant 3 : i32
      %dma_start3A_755 = arith.constant 384 : i32
      %dma_start3A_756 = tpu.memref_slice %arg10[%dma_start3A_755] : memref<1024xf32, #tpu.memory_space<vmem>> -> memref<128xf32, #tpu.memory_space<vmem>>
      %dma_start3A_757 = arith.constant 0 : i32
      %dma_start3A_758 = tpu.memref_slice %arg8[%dma_start3A_754, %dma_start3A_757] : memref<8x128xi32, #tpu.memory_space<vmem>> -> memref<1x128xi32, #tpu.memory_space<vmem>>
      %dma_start3A_759 = tpu.memref_squeeze %dma_start3A_758 : memref<1x128xi32, #tpu.memory_space<vmem>> -> memref<128xi32, #tpu.memory_space<vmem>>
      %dma_start3A_760 = arith.constant 0 : i32
      %dma_start3A_761 = tpu.memref_slice %arg2[%dma_start3A_760] : memref<100663296xf32, #tpu.memory_space<hbm>> -> memref<100663296xf32, #tpu.memory_space<hbm>>
      tpu.enqueue_indirect_dma source(%dma_start3A_761 : memref<100663296xf32, #tpu.memory_space<hbm>>) target(%dma_start3A_756 : memref<128xf32, #tpu.memory_space<vmem>>) offsets(%dma_start3A_759 : memref<128xi32, #tpu.memory_space<vmem>>) semaphore(%arg15 : memref<!tpu.dma_semaphore, #tpu.memory_space<semaphore_mem>>)
      %add3A_762 = arith.constant 8 : i32
      %add3A_763 = arith.addi %mul3A_346, %add3A_762 : i32
      %mul3A_764 = arith.constant 262144 : i32
      %mul3A_765 = arith.muli %add3A_763, %mul3A_764 : i32
      %add3A_766 = vector.broadcast %mul3A_765 : i32 to vector<16xi32>
      %add3A_767 = arith.addi %add3A_766, %add3A_254 : vector<16xi32>
      %swap3A_768 = arith.constant 4 : i32
      %swap3A_769 = arith.index_cast %swap3A_768 : i32 to index
      %swap3A_770 = arith.constant 0 : index
      %swap3A_771 = tpu.vector_load %arg8[%swap3A_769, %swap3A_770] {strides = array<i32>} : memref<8x128xi32, #tpu.memory_space<vmem>>, vector<1x16xi32>,
      %swap3A_772 = vector.shape_cast %swap3A_771 : vector<1x16xi32> to vector<16xi32>
      %swap3A_773 = vector.shape_cast %add3A_767 : vector<16xi32> to vector<1x16xi32>
      tpu.vector_store %arg8[%swap3A_769, %swap3A_770], %swap3A_773 {strides = array<i32>} : memref<8x128xi32, #tpu.memory_space<vmem>>, vector<1x16xi32>,
      %add3A_774 = arith.constant 8 : i32
      %add3A_775 = arith.addi %mul3A_346, %add3A_774 : i32
      %mul3A_776 = arith.constant 262144 : i32
      %mul3A_777 = arith.muli %add3A_775, %mul3A_776 : i32
      %add3A_778 = vector.broadcast %mul3A_777 : i32 to vector<16xi32>
      %add3A_779 = arith.addi %add3A_778, %add3A_284 : vector<16xi32>
      %swap3A_780 = arith.constant 4 : i32
      %swap3A_781 = arith.index_cast %swap3A_780 : i32 to index
      %swap3A_782 = arith.constant 16 : index
      %swap3A_783 = tpu.vector_load %arg8[%swap3A_781, %swap3A_782] {strides = array<i32>} : memref<8x128xi32, #tpu.memory_space<vmem>>, vector<1x16xi32>,
      %swap3A_784 = vector.shape_cast %swap3A_783 : vector<1x16xi32> to vector<16xi32>
      %swap3A_785 = vector.shape_cast %add3A_779 : vector<16xi32> to vector<1x16xi32>
      tpu.vector_store %arg8[%swap3A_781, %swap3A_782], %swap3A_785 {strides = array<i32>} : memref<8x128xi32, #tpu.memory_space<vmem>>, vector<1x16xi32>,
      %add3A_786 = arith.constant 8 : i32
      %add3A_787 = arith.addi %mul3A_346, %add3A_786 : i32
      %mul3A_788 = arith.constant 262144 : i32
      %mul3A_789 = arith.muli %add3A_787, %mul3A_788 : i32
      %add3A_790 = vector.broadcast %mul3A_789 : i32 to vector<16xi32>
      %add3A_791 = arith.addi %add3A_790, %add3A_314 : vector<16xi32>
      %swap3A_792 = arith.constant 4 : i32
      %swap3A_793 = arith.index_cast %swap3A_792 : i32 to index
      %swap3A_794 = arith.constant 32 : index
      %swap3A_795 = tpu.vector_load %arg8[%swap3A_793, %swap3A_794] {strides = array<i32>} : memref<8x128xi32, #tpu.memory_space<vmem>>, vector<1x16xi32>,
      %swap3A_796 = vector.shape_cast %swap3A_795 : vector<1x16xi32> to vector<16xi32>
      %swap3A_797 = vector.shape_cast %add3A_791 : vector<16xi32> to vector<1x16xi32>
      tpu.vector_store %arg8[%swap3A_793, %swap3A_794], %swap3A_797 {strides = array<i32>} : memref<8x128xi32, #tpu.memory_space<vmem>>, vector<1x16xi32>,
      %add3A_798 = arith.constant 8 : i32
      %add3A_799 = arith.addi %mul3A_346, %add3A_798 : i32
      %mul3A_800 = arith.constant 262144 : i32
      %mul3A_801 = arith.muli %add3A_799, %mul3A_800 : i32
      %add3A_802 = vector.broadcast %mul3A_801 : i32 to vector<16xi32>
      %add3A_803 = arith.addi %add3A_802, %add3A_344 : vector<16xi32>
      %swap3A_804 = arith.constant 4 : i32
      %swap3A_805 = arith.index_cast %swap3A_804 : i32 to index
      %swap3A_806 = arith.constant 48 : index
      %swap3A_807 = tpu.vector_load %arg8[%swap3A_805, %swap3A_806] {strides = array<i32>} : memref<8x128xi32, #tpu.memory_space<vmem>>, vector<1x16xi32>,
      %swap3A_808 = vector.shape_cast %swap3A_807 : vector<1x16xi32> to vector<16xi32>
      %swap3A_809 = vector.shape_cast %add3A_803 : vector<16xi32> to vector<1x16xi32>
      tpu.vector_store %arg8[%swap3A_805, %swap3A_806], %swap3A_809 {strides = array<i32>} : memref<8x128xi32, #tpu.memory_space<vmem>>, vector<1x16xi32>,
      %add3A_810 = arith.constant 9 : i32
      %add3A_811 = arith.addi %mul3A_346, %add3A_810 : i32
      %mul3A_812 = arith.constant 262144 : i32
      %mul3A_813 = arith.muli %add3A_811, %mul3A_812 : i32
      %add3A_814 = vector.broadcast %mul3A_813 : i32 to vector<16xi32>
      %add3A_815 = arith.addi %add3A_814, %add3A_254 : vector<16xi32>
      %swap3A_816 = arith.constant 4 : i32
      %swap3A_817 = arith.index_cast %swap3A_816 : i32 to index
      %swap3A_818 = arith.constant 64 : index
      %swap3A_819 = tpu.vector_load %arg8[%swap3A_817, %swap3A_818] {strides = array<i32>} : memref<8x128xi32, #tpu.memory_space<vmem>>, vector<1x16xi32>,
      %swap3A_820 = vector.shape_cast %swap3A_819 : vector<1x16xi32> to vector<16xi32>
      %swap3A_821 = vector.shape_cast %add3A_815 : vector<16xi32> to vector<1x16xi32>
      tpu.vector_store %arg8[%swap3A_817, %swap3A_818], %swap3A_821 {strides = array<i32>} : memref<8x128xi32, #tpu.memory_space<vmem>>, vector<1x16xi32>,
      %add3A_822 = arith.constant 9 : i32
      %add3A_823 = arith.addi %mul3A_346, %add3A_822 : i32
      %mul3A_824 = arith.constant 262144 : i32
      %mul3A_825 = arith.muli %add3A_823, %mul3A_824 : i32
      %add3A_826 = vector.broadcast %mul3A_825 : i32 to vector<16xi32>
      %add3A_827 = arith.addi %add3A_826, %add3A_284 : vector<16xi32>
      %swap3A_828 = arith.constant 4 : i32
      %swap3A_829 = arith.index_cast %swap3A_828 : i32 to index
      %swap3A_830 = arith.constant 80 : index
      %swap3A_831 = tpu.vector_load %arg8[%swap3A_829, %swap3A_830] {strides = array<i32>} : memref<8x128xi32, #tpu.memory_space<vmem>>, vector<1x16xi32>,
      %swap3A_832 = vector.shape_cast %swap3A_831 : vector<1x16xi32> to vector<16xi32>
      %swap3A_833 = vector.shape_cast %add3A_827 : vector<16xi32> to vector<1x16xi32>
      tpu.vector_store %arg8[%swap3A_829, %swap3A_830], %swap3A_833 {strides = array<i32>} : memref<8x128xi32, #tpu.memory_space<vmem>>, vector<1x16xi32>,
      %add3A_834 = arith.constant 9 : i32
      %add3A_835 = arith.addi %mul3A_346, %add3A_834 : i32
      %mul3A_836 = arith.constant 262144 : i32
      %mul3A_837 = arith.muli %add3A_835, %mul3A_836 : i32
      %add3A_838 = vector.broadcast %mul3A_837 : i32 to vector<16xi32>
      %add3A_839 = arith.addi %add3A_838, %add3A_314 : vector<16xi32>
      %swap3A_840 = arith.constant 4 : i32
      %swap3A_841 = arith.index_cast %swap3A_840 : i32 to index
      %swap3A_842 = arith.constant 96 : index
      %swap3A_843 = tpu.vector_load %arg8[%swap3A_841, %swap3A_842] {strides = array<i32>} : memref<8x128xi32, #tpu.memory_space<vmem>>, vector<1x16xi32>,
      %swap3A_844 = vector.shape_cast %swap3A_843 : vector<1x16xi32> to vector<16xi32>
      %swap3A_845 = vector.shape_cast %add3A_839 : vector<16xi32> to vector<1x16xi32>
      tpu.vector_store %arg8[%swap3A_841, %swap3A_842], %swap3A_845 {strides = array<i32>} : memref<8x128xi32, #tpu.memory_space<vmem>>, vector<1x16xi32>,
      %add3A_846 = arith.constant 9 : i32
      %add3A_847 = arith.addi %mul3A_346, %add3A_846 : i32
      %mul3A_848 = arith.constant 262144 : i32
      %mul3A_849 = arith.muli %add3A_847, %mul3A_848 : i32
      %add3A_850 = vector.broadcast %mul3A_849 : i32 to vector<16xi32>
      %add3A_851 = arith.addi %add3A_850, %add3A_344 : vector<16xi32>
      %swap3A_852 = arith.constant 4 : i32
      %swap3A_853 = arith.index_cast %swap3A_852 : i32 to index
      %swap3A_854 = arith.constant 112 : index
      %swap3A_855 = tpu.vector_load %arg8[%swap3A_853, %swap3A_854] {strides = array<i32>} : memref<8x128xi32, #tpu.memory_space<vmem>>, vector<1x16xi32>,
      %swap3A_856 = vector.shape_cast %swap3A_855 : vector<1x16xi32> to vector<16xi32>
      %swap3A_857 = vector.shape_cast %add3A_851 : vector<16xi32> to vector<1x16xi32>
      tpu.vector_store %arg8[%swap3A_853, %swap3A_854], %swap3A_857 {strides = array<i32>} : memref<8x128xi32, #tpu.memory_space<vmem>>, vector<1x16xi32>,
      %dma_start3A_858 = arith.constant 4 : i32
      %dma_start3A_859 = arith.constant 512 : i32
      %dma_start3A_860 = tpu.memref_slice %arg10[%dma_start3A_859] : memref<1024xf32, #tpu.memory_space<vmem>> -> memref<128xf32, #tpu.memory_space<vmem>>
      %dma_start3A_861 = arith.constant 0 : i32
      %dma_start3A_862 = tpu.memref_slice %arg8[%dma_start3A_858, %dma_start3A_861] : memref<8x128xi32, #tpu.memory_space<vmem>> -> memref<1x128xi32, #tpu.memory_space<vmem>>
      %dma_start3A_863 = tpu.memref_squeeze %dma_start3A_862 : memref<1x128xi32, #tpu.memory_space<vmem>> -> memref<128xi32, #tpu.memory_space<vmem>>
      %dma_start3A_864 = arith.constant 0 : i32
      %dma_start3A_865 = tpu.memref_slice %arg2[%dma_start3A_864] : memref<100663296xf32, #tpu.memory_space<hbm>> -> memref<100663296xf32, #tpu.memory_space<hbm>>
      tpu.enqueue_indirect_dma source(%dma_start3A_865 : memref<100663296xf32, #tpu.memory_space<hbm>>) target(%dma_start3A_860 : memref<128xf32, #tpu.memory_space<vmem>>) offsets(%dma_start3A_863 : memref<128xi32, #tpu.memory_space<vmem>>) semaphore(%arg15 : memref<!tpu.dma_semaphore, #tpu.memory_space<semaphore_mem>>)
      %add3A_866 = arith.constant 10 : i32
      %add3A_867 = arith.addi %mul3A_346, %add3A_866 : i32
      %mul3A_868 = arith.constant 262144 : i32
      %mul3A_869 = arith.muli %add3A_867, %mul3A_868 : i32
      %add3A_870 = vector.broadcast %mul3A_869 : i32 to vector<16xi32>
      %add3A_871 = arith.addi %add3A_870, %add3A_254 : vector<16xi32>
      %swap3A_872 = arith.constant 5 : i32
      %swap3A_873 = arith.index_cast %swap3A_872 : i32 to index
      %swap3A_874 = arith.constant 0 : index
      %swap3A_875 = tpu.vector_load %arg8[%swap3A_873, %swap3A_874] {strides = array<i32>} : memref<8x128xi32, #tpu.memory_space<vmem>>, vector<1x16xi32>,
      %swap3A_876 = vector.shape_cast %swap3A_875 : vector<1x16xi32> to vector<16xi32>
      %swap3A_877 = vector.shape_cast %add3A_871 : vector<16xi32> to vector<1x16xi32>
      tpu.vector_store %arg8[%swap3A_873, %swap3A_874], %swap3A_877 {strides = array<i32>} : memref<8x128xi32, #tpu.memory_space<vmem>>, vector<1x16xi32>,
      %add3A_878 = arith.constant 10 : i32
      %add3A_879 = arith.addi %mul3A_346, %add3A_878 : i32
      %mul3A_880 = arith.constant 262144 : i32
      %mul3A_881 = arith.muli %add3A_879, %mul3A_880 : i32
      %add3A_882 = vector.broadcast %mul3A_881 : i32 to vector<16xi32>
      %add3A_883 = arith.addi %add3A_882, %add3A_284 : vector<16xi32>
      %swap3A_884 = arith.constant 5 : i32
      %swap3A_885 = arith.index_cast %swap3A_884 : i32 to index
      %swap3A_886 = arith.constant 16 : index
      %swap3A_887 = tpu.vector_load %arg8[%swap3A_885, %swap3A_886] {strides = array<i32>} : memref<8x128xi32, #tpu.memory_space<vmem>>, vector<1x16xi32>,
      %swap3A_888 = vector.shape_cast %swap3A_887 : vector<1x16xi32> to vector<16xi32>
      %swap3A_889 = vector.shape_cast %add3A_883 : vector<16xi32> to vector<1x16xi32>
      tpu.vector_store %arg8[%swap3A_885, %swap3A_886], %swap3A_889 {strides = array<i32>} : memref<8x128xi32, #tpu.memory_space<vmem>>, vector<1x16xi32>,
      %add3A_890 = arith.constant 10 : i32
      %add3A_891 = arith.addi %mul3A_346, %add3A_890 : i32
      %mul3A_892 = arith.constant 262144 : i32
      %mul3A_893 = arith.muli %add3A_891, %mul3A_892 : i32
      %add3A_894 = vector.broadcast %mul3A_893 : i32 to vector<16xi32>
      %add3A_895 = arith.addi %add3A_894, %add3A_314 : vector<16xi32>
      %swap3A_896 = arith.constant 5 : i32
      %swap3A_897 = arith.index_cast %swap3A_896 : i32 to index
      %swap3A_898 = arith.constant 32 : index
      %swap3A_899 = tpu.vector_load %arg8[%swap3A_897, %swap3A_898] {strides = array<i32>} : memref<8x128xi32, #tpu.memory_space<vmem>>, vector<1x16xi32>,
      %swap3A_900 = vector.shape_cast %swap3A_899 : vector<1x16xi32> to vector<16xi32>
      %swap3A_901 = vector.shape_cast %add3A_895 : vector<16xi32> to vector<1x16xi32>
      tpu.vector_store %arg8[%swap3A_897, %swap3A_898], %swap3A_901 {strides = array<i32>} : memref<8x128xi32, #tpu.memory_space<vmem>>, vector<1x16xi32>,
      %add3A_902 = arith.constant 10 : i32
      %add3A_903 = arith.addi %mul3A_346, %add3A_902 : i32
      %mul3A_904 = arith.constant 262144 : i32
      %mul3A_905 = arith.muli %add3A_903, %mul3A_904 : i32
      %add3A_906 = vector.broadcast %mul3A_905 : i32 to vector<16xi32>
      %add3A_907 = arith.addi %add3A_906, %add3A_344 : vector<16xi32>
      %swap3A_908 = arith.constant 5 : i32
      %swap3A_909 = arith.index_cast %swap3A_908 : i32 to index
      %swap3A_910 = arith.constant 48 : index
      %swap3A_911 = tpu.vector_load %arg8[%swap3A_909, %swap3A_910] {strides = array<i32>} : memref<8x128xi32, #tpu.memory_space<vmem>>, vector<1x16xi32>,
      %swap3A_912 = vector.shape_cast %swap3A_911 : vector<1x16xi32> to vector<16xi32>
      %swap3A_913 = vector.shape_cast %add3A_907 : vector<16xi32> to vector<1x16xi32>
      tpu.vector_store %arg8[%swap3A_909, %swap3A_910], %swap3A_913 {strides = array<i32>} : memref<8x128xi32, #tpu.memory_space<vmem>>, vector<1x16xi32>,
      %add3A_914 = arith.constant 11 : i32
      %add3A_915 = arith.addi %mul3A_346, %add3A_914 : i32
      %mul3A_916 = arith.constant 262144 : i32
      %mul3A_917 = arith.muli %add3A_915, %mul3A_916 : i32
      %add3A_918 = vector.broadcast %mul3A_917 : i32 to vector<16xi32>
      %add3A_919 = arith.addi %add3A_918, %add3A_254 : vector<16xi32>
      %swap3A_920 = arith.constant 5 : i32
      %swap3A_921 = arith.index_cast %swap3A_920 : i32 to index
      %swap3A_922 = arith.constant 64 : index
      %swap3A_923 = tpu.vector_load %arg8[%swap3A_921, %swap3A_922] {strides = array<i32>} : memref<8x128xi32, #tpu.memory_space<vmem>>, vector<1x16xi32>,
      %swap3A_924 = vector.shape_cast %swap3A_923 : vector<1x16xi32> to vector<16xi32>
      %swap3A_925 = vector.shape_cast %add3A_919 : vector<16xi32> to vector<1x16xi32>
      tpu.vector_store %arg8[%swap3A_921, %swap3A_922], %swap3A_925 {strides = array<i32>} : memref<8x128xi32, #tpu.memory_space<vmem>>, vector<1x16xi32>,
      %add3A_926 = arith.constant 11 : i32
      %add3A_927 = arith.addi %mul3A_346, %add3A_926 : i32
      %mul3A_928 = arith.constant 262144 : i32
      %mul3A_929 = arith.muli %add3A_927, %mul3A_928 : i32
      %add3A_930 = vector.broadcast %mul3A_929 : i32 to vector<16xi32>
      %add3A_931 = arith.addi %add3A_930, %add3A_284 : vector<16xi32>
      %swap3A_932 = arith.constant 5 : i32
      %swap3A_933 = arith.index_cast %swap3A_932 : i32 to index
      %swap3A_934 = arith.constant 80 : index
      %swap3A_935 = tpu.vector_load %arg8[%swap3A_933, %swap3A_934] {strides = array<i32>} : memref<8x128xi32, #tpu.memory_space<vmem>>, vector<1x16xi32>,
      %swap3A_936 = vector.shape_cast %swap3A_935 : vector<1x16xi32> to vector<16xi32>
      %swap3A_937 = vector.shape_cast %add3A_931 : vector<16xi32> to vector<1x16xi32>
      tpu.vector_store %arg8[%swap3A_933, %swap3A_934], %swap3A_937 {strides = array<i32>} : memref<8x128xi32, #tpu.memory_space<vmem>>, vector<1x16xi32>,
      %add3A_938 = arith.constant 11 : i32
      %add3A_939 = arith.addi %mul3A_346, %add3A_938 : i32
      %mul3A_940 = arith.constant 262144 : i32
      %mul3A_941 = arith.muli %add3A_939, %mul3A_940 : i32
      %add3A_942 = vector.broadcast %mul3A_941 : i32 to vector<16xi32>
      %add3A_943 = arith.addi %add3A_942, %add3A_314 : vector<16xi32>
      %swap3A_944 = arith.constant 5 : i32
      %swap3A_945 = arith.index_cast %swap3A_944 : i32 to index
      %swap3A_946 = arith.constant 96 : index
      %swap3A_947 = tpu.vector_load %arg8[%swap3A_945, %swap3A_946] {strides = array<i32>} : memref<8x128xi32, #tpu.memory_space<vmem>>, vector<1x16xi32>,
      %swap3A_948 = vector.shape_cast %swap3A_947 : vector<1x16xi32> to vector<16xi32>
      %swap3A_949 = vector.shape_cast %add3A_943 : vector<16xi32> to vector<1x16xi32>
      tpu.vector_store %arg8[%swap3A_945, %swap3A_946], %swap3A_949 {strides = array<i32>} : memref<8x128xi32, #tpu.memory_space<vmem>>, vector<1x16xi32>,
      %add3A_950 = arith.constant 11 : i32
      %add3A_951 = arith.addi %mul3A_346, %add3A_950 : i32
      %mul3A_952 = arith.constant 262144 : i32
      %mul3A_953 = arith.muli %add3A_951, %mul3A_952 : i32
      %add3A_954 = vector.broadcast %mul3A_953 : i32 to vector<16xi32>
      %add3A_955 = arith.addi %add3A_954, %add3A_344 : vector<16xi32>
      %swap3A_956 = arith.constant 5 : i32
      %swap3A_957 = arith.index_cast %swap3A_956 : i32 to index
      %swap3A_958 = arith.constant 112 : index
      %swap3A_959 = tpu.vector_load %arg8[%swap3A_957, %swap3A_958] {strides = array<i32>} : memref<8x128xi32, #tpu.memory_space<vmem>>, vector<1x16xi32>,
      %swap3A_960 = vector.shape_cast %swap3A_959 : vector<1x16xi32> to vector<16xi32>
      %swap3A_961 = vector.shape_cast %add3A_955 : vector<16xi32> to vector<1x16xi32>
      tpu.vector_store %arg8[%swap3A_957, %swap3A_958], %swap3A_961 {strides = array<i32>} : memref<8x128xi32, #tpu.memory_space<vmem>>, vector<1x16xi32>,
      %dma_start3A_962 = arith.constant 5 : i32
      %dma_start3A_963 = arith.constant 640 : i32
      %dma_start3A_964 = tpu.memref_slice %arg10[%dma_start3A_963] : memref<1024xf32, #tpu.memory_space<vmem>> -> memref<128xf32, #tpu.memory_space<vmem>>
      %dma_start3A_965 = arith.constant 0 : i32
      %dma_start3A_966 = tpu.memref_slice %arg8[%dma_start3A_962, %dma_start3A_965] : memref<8x128xi32, #tpu.memory_space<vmem>> -> memref<1x128xi32, #tpu.memory_space<vmem>>
      %dma_start3A_967 = tpu.memref_squeeze %dma_start3A_966 : memref<1x128xi32, #tpu.memory_space<vmem>> -> memref<128xi32, #tpu.memory_space<vmem>>
      %dma_start3A_968 = arith.constant 0 : i32
      %dma_start3A_969 = tpu.memref_slice %arg2[%dma_start3A_968] : memref<100663296xf32, #tpu.memory_space<hbm>> -> memref<100663296xf32, #tpu.memory_space<hbm>>
      tpu.enqueue_indirect_dma source(%dma_start3A_969 : memref<100663296xf32, #tpu.memory_space<hbm>>) target(%dma_start3A_964 : memref<128xf32, #tpu.memory_space<vmem>>) offsets(%dma_start3A_967 : memref<128xi32, #tpu.memory_space<vmem>>) semaphore(%arg15 : memref<!tpu.dma_semaphore, #tpu.memory_space<semaphore_mem>>)
      %add3A_970 = arith.constant 12 : i32
      %add3A_971 = arith.addi %mul3A_346, %add3A_970 : i32
      %mul3A_972 = arith.constant 262144 : i32
      %mul3A_973 = arith.muli %add3A_971, %mul3A_972 : i32
      %add3A_974 = vector.broadcast %mul3A_973 : i32 to vector<16xi32>
      %add3A_975 = arith.addi %add3A_974, %add3A_254 : vector<16xi32>
      %swap3A_976 = arith.constant 6 : i32
      %swap3A_977 = arith.index_cast %swap3A_976 : i32 to index
      %swap3A_978 = arith.constant 0 : index
      %swap3A_979 = tpu.vector_load %arg8[%swap3A_977, %swap3A_978] {strides = array<i32>} : memref<8x128xi32, #tpu.memory_space<vmem>>, vector<1x16xi32>,
      %swap3A_980 = vector.shape_cast %swap3A_979 : vector<1x16xi32> to vector<16xi32>
      %swap3A_981 = vector.shape_cast %add3A_975 : vector<16xi32> to vector<1x16xi32>
      tpu.vector_store %arg8[%swap3A_977, %swap3A_978], %swap3A_981 {strides = array<i32>} : memref<8x128xi32, #tpu.memory_space<vmem>>, vector<1x16xi32>,
      %add3A_982 = arith.constant 12 : i32
      %add3A_983 = arith.addi %mul3A_346, %add3A_982 : i32
      %mul3A_984 = arith.constant 262144 : i32
      %mul3A_985 = arith.muli %add3A_983, %mul3A_984 : i32
      %add3A_986 = vector.broadcast %mul3A_985 : i32 to vector<16xi32>
      %add3A_987 = arith.addi %add3A_986, %add3A_284 : vector<16xi32>
      %swap3A_988 = arith.constant 6 : i32
      %swap3A_989 = arith.index_cast %swap3A_988 : i32 to index
      %swap3A_990 = arith.constant 16 : index
      %swap3A_991 = tpu.vector_load %arg8[%swap3A_989, %swap3A_990] {strides = array<i32>} : memref<8x128xi32, #tpu.memory_space<vmem>>, vector<1x16xi32>,
      %swap3A_992 = vector.shape_cast %swap3A_991 : vector<1x16xi32> to vector<16xi32>
      %swap3A_993 = vector.shape_cast %add3A_987 : vector<16xi32> to vector<1x16xi32>
      tpu.vector_store %arg8[%swap3A_989, %swap3A_990], %swap3A_993 {strides = array<i32>} : memref<8x128xi32, #tpu.memory_space<vmem>>, vector<1x16xi32>,
      %add3A_994 = arith.constant 12 : i32
      %add3A_995 = arith.addi %mul3A_346, %add3A_994 : i32
      %mul3A_996 = arith.constant 262144 : i32
      %mul3A_997 = arith.muli %add3A_995, %mul3A_996 : i32
      %add3A_998 = vector.broadcast %mul3A_997 : i32 to vector<16xi32>
      %add3A_999 = arith.addi %add3A_998, %add3A_314 : vector<16xi32>
      %swap3A_1000 = arith.constant 6 : i32
      %swap3A_1001 = arith.index_cast %swap3A_1000 : i32 to index
      %swap3A_1002 = arith.constant 32 : index
      %swap3A_1003 = tpu.vector_load %arg8[%swap3A_1001, %swap3A_1002] {strides = array<i32>} : memref<8x128xi32, #tpu.memory_space<vmem>>, vector<1x16xi32>,
      %swap3A_1004 = vector.shape_cast %swap3A_1003 : vector<1x16xi32> to vector<16xi32>
      %swap3A_1005 = vector.shape_cast %add3A_999 : vector<16xi32> to vector<1x16xi32>
      tpu.vector_store %arg8[%swap3A_1001, %swap3A_1002], %swap3A_1005 {strides = array<i32>} : memref<8x128xi32, #tpu.memory_space<vmem>>, vector<1x16xi32>,
      %add3A_1006 = arith.constant 12 : i32
      %add3A_1007 = arith.addi %mul3A_346, %add3A_1006 : i32
      %mul3A_1008 = arith.constant 262144 : i32
      %mul3A_1009 = arith.muli %add3A_1007, %mul3A_1008 : i32
      %add3A_1010 = vector.broadcast %mul3A_1009 : i32 to vector<16xi32>
      %add3A_1011 = arith.addi %add3A_1010, %add3A_344 : vector<16xi32>
      %swap3A_1012 = arith.constant 6 : i32
      %swap3A_1013 = arith.index_cast %swap3A_1012 : i32 to index
      %swap3A_1014 = arith.constant 48 : index
      %swap3A_1015 = tpu.vector_load %arg8[%swap3A_1013, %swap3A_1014] {strides = array<i32>} : memref<8x128xi32, #tpu.memory_space<vmem>>, vector<1x16xi32>,
      %swap3A_1016 = vector.shape_cast %swap3A_1015 : vector<1x16xi32> to vector<16xi32>
      %swap3A_1017 = vector.shape_cast %add3A_1011 : vector<16xi32> to vector<1x16xi32>
      tpu.vector_store %arg8[%swap3A_1013, %swap3A_1014], %swap3A_1017 {strides = array<i32>} : memref<8x128xi32, #tpu.memory_space<vmem>>, vector<1x16xi32>,
      %add3A_1018 = arith.constant 13 : i32
      %add3A_1019 = arith.addi %mul3A_346, %add3A_1018 : i32
      %mul3A_1020 = arith.constant 262144 : i32
      %mul3A_1021 = arith.muli %add3A_1019, %mul3A_1020 : i32
      %add3A_1022 = vector.broadcast %mul3A_1021 : i32 to vector<16xi32>
      %add3A_1023 = arith.addi %add3A_1022, %add3A_254 : vector<16xi32>
      %swap3A_1024 = arith.constant 6 : i32
      %swap3A_1025 = arith.index_cast %swap3A_1024 : i32 to index
      %swap3A_1026 = arith.constant 64 : index
      %swap3A_1027 = tpu.vector_load %arg8[%swap3A_1025, %swap3A_1026] {strides = array<i32>} : memref<8x128xi32, #tpu.memory_space<vmem>>, vector<1x16xi32>,
      %swap3A_1028 = vector.shape_cast %swap3A_1027 : vector<1x16xi32> to vector<16xi32>
      %swap3A_1029 = vector.shape_cast %add3A_1023 : vector<16xi32> to vector<1x16xi32>
      tpu.vector_store %arg8[%swap3A_1025, %swap3A_1026], %swap3A_1029 {strides = array<i32>} : memref<8x128xi32, #tpu.memory_space<vmem>>, vector<1x16xi32>,
      %add3A_1030 = arith.constant 13 : i32
      %add3A_1031 = arith.addi %mul3A_346, %add3A_1030 : i32
      %mul3A_1032 = arith.constant 262144 : i32
      %mul3A_1033 = arith.muli %add3A_1031, %mul3A_1032 : i32
      %add3A_1034 = vector.broadcast %mul3A_1033 : i32 to vector<16xi32>
      %add3A_1035 = arith.addi %add3A_1034, %add3A_284 : vector<16xi32>
      %swap3A_1036 = arith.constant 6 : i32
      %swap3A_1037 = arith.index_cast %swap3A_1036 : i32 to index
      %swap3A_1038 = arith.constant 80 : index
      %swap3A_1039 = tpu.vector_load %arg8[%swap3A_1037, %swap3A_1038] {strides = array<i32>} : memref<8x128xi32, #tpu.memory_space<vmem>>, vector<1x16xi32>,
      %swap3A_1040 = vector.shape_cast %swap3A_1039 : vector<1x16xi32> to vector<16xi32>
      %swap3A_1041 = vector.shape_cast %add3A_1035 : vector<16xi32> to vector<1x16xi32>
      tpu.vector_store %arg8[%swap3A_1037, %swap3A_1038], %swap3A_1041 {strides = array<i32>} : memref<8x128xi32, #tpu.memory_space<vmem>>, vector<1x16xi32>,
      %add3A_1042 = arith.constant 13 : i32
      %add3A_1043 = arith.addi %mul3A_346, %add3A_1042 : i32
      %mul3A_1044 = arith.constant 262144 : i32
      %mul3A_1045 = arith.muli %add3A_1043, %mul3A_1044 : i32
      %add3A_1046 = vector.broadcast %mul3A_1045 : i32 to vector<16xi32>
      %add3A_1047 = arith.addi %add3A_1046, %add3A_314 : vector<16xi32>
      %swap3A_1048 = arith.constant 6 : i32
      %swap3A_1049 = arith.index_cast %swap3A_1048 : i32 to index
      %swap3A_1050 = arith.constant 96 : index
      %swap3A_1051 = tpu.vector_load %arg8[%swap3A_1049, %swap3A_1050] {strides = array<i32>} : memref<8x128xi32, #tpu.memory_space<vmem>>, vector<1x16xi32>,
      %swap3A_1052 = vector.shape_cast %swap3A_1051 : vector<1x16xi32> to vector<16xi32>
      %swap3A_1053 = vector.shape_cast %add3A_1047 : vector<16xi32> to vector<1x16xi32>
      tpu.vector_store %arg8[%swap3A_1049, %swap3A_1050], %swap3A_1053 {strides = array<i32>} : memref<8x128xi32, #tpu.memory_space<vmem>>, vector<1x16xi32>,
      %add3A_1054 = arith.constant 13 : i32
      %add3A_1055 = arith.addi %mul3A_346, %add3A_1054 : i32
      %mul3A_1056 = arith.constant 262144 : i32
      %mul3A_1057 = arith.muli %add3A_1055, %mul3A_1056 : i32
      %add3A_1058 = vector.broadcast %mul3A_1057 : i32 to vector<16xi32>
      %add3A_1059 = arith.addi %add3A_1058, %add3A_344 : vector<16xi32>
      %swap3A_1060 = arith.constant 6 : i32
      %swap3A_1061 = arith.index_cast %swap3A_1060 : i32 to index
      %swap3A_1062 = arith.constant 112 : index
      %swap3A_1063 = tpu.vector_load %arg8[%swap3A_1061, %swap3A_1062] {strides = array<i32>} : memref<8x128xi32, #tpu.memory_space<vmem>>, vector<1x16xi32>,
      %swap3A_1064 = vector.shape_cast %swap3A_1063 : vector<1x16xi32> to vector<16xi32>
      %swap3A_1065 = vector.shape_cast %add3A_1059 : vector<16xi32> to vector<1x16xi32>
      tpu.vector_store %arg8[%swap3A_1061, %swap3A_1062], %swap3A_1065 {strides = array<i32>} : memref<8x128xi32, #tpu.memory_space<vmem>>, vector<1x16xi32>,
      %dma_start3A_1066 = arith.constant 6 : i32
      %dma_start3A_1067 = arith.constant 768 : i32
      %dma_start3A_1068 = tpu.memref_slice %arg10[%dma_start3A_1067] : memref<1024xf32, #tpu.memory_space<vmem>> -> memref<128xf32, #tpu.memory_space<vmem>>
      %dma_start3A_1069 = arith.constant 0 : i32
      %dma_start3A_1070 = tpu.memref_slice %arg8[%dma_start3A_1066, %dma_start3A_1069] : memref<8x128xi32, #tpu.memory_space<vmem>> -> memref<1x128xi32, #tpu.memory_space<vmem>>
      %dma_start3A_1071 = tpu.memref_squeeze %dma_start3A_1070 : memref<1x128xi32, #tpu.memory_space<vmem>> -> memref<128xi32, #tpu.memory_space<vmem>>
      %dma_start3A_1072 = arith.constant 0 : i32
      %dma_start3A_1073 = tpu.memref_slice %arg2[%dma_start3A_1072] : memref<100663296xf32, #tpu.memory_space<hbm>> -> memref<100663296xf32, #tpu.memory_space<hbm>>
      tpu.enqueue_indirect_dma source(%dma_start3A_1073 : memref<100663296xf32, #tpu.memory_space<hbm>>) target(%dma_start3A_1068 : memref<128xf32, #tpu.memory_space<vmem>>) offsets(%dma_start3A_1071 : memref<128xi32, #tpu.memory_space<vmem>>) semaphore(%arg15 : memref<!tpu.dma_semaphore, #tpu.memory_space<semaphore_mem>>)
      %add3A_1074 = arith.constant 14 : i32
      %add3A_1075 = arith.addi %mul3A_346, %add3A_1074 : i32
      %mul3A_1076 = arith.constant 262144 : i32
      %mul3A_1077 = arith.muli %add3A_1075, %mul3A_1076 : i32
      %add3A_1078 = vector.broadcast %mul3A_1077 : i32 to vector<16xi32>
      %add3A_1079 = arith.addi %add3A_1078, %add3A_254 : vector<16xi32>
      %swap3A_1080 = arith.constant 7 : i32
      %swap3A_1081 = arith.index_cast %swap3A_1080 : i32 to index
      %swap3A_1082 = arith.constant 0 : index
      %swap3A_1083 = tpu.vector_load %arg8[%swap3A_1081, %swap3A_1082] {strides = array<i32>} : memref<8x128xi32, #tpu.memory_space<vmem>>, vector<1x16xi32>,
      %swap3A_1084 = vector.shape_cast %swap3A_1083 : vector<1x16xi32> to vector<16xi32>
      %swap3A_1085 = vector.shape_cast %add3A_1079 : vector<16xi32> to vector<1x16xi32>
      tpu.vector_store %arg8[%swap3A_1081, %swap3A_1082], %swap3A_1085 {strides = array<i32>} : memref<8x128xi32, #tpu.memory_space<vmem>>, vector<1x16xi32>,
      %add3A_1086 = arith.constant 14 : i32
      %add3A_1087 = arith.addi %mul3A_346, %add3A_1086 : i32
      %mul3A_1088 = arith.constant 262144 : i32
      %mul3A_1089 = arith.muli %add3A_1087, %mul3A_1088 : i32
      %add3A_1090 = vector.broadcast %mul3A_1089 : i32 to vector<16xi32>
      %add3A_1091 = arith.addi %add3A_1090, %add3A_284 : vector<16xi32>
      %swap3A_1092 = arith.constant 7 : i32
      %swap3A_1093 = arith.index_cast %swap3A_1092 : i32 to index
      %swap3A_1094 = arith.constant 16 : index
      %swap3A_1095 = tpu.vector_load %arg8[%swap3A_1093, %swap3A_1094] {strides = array<i32>} : memref<8x128xi32, #tpu.memory_space<vmem>>, vector<1x16xi32>,
      %swap3A_1096 = vector.shape_cast %swap3A_1095 : vector<1x16xi32> to vector<16xi32>
      %swap3A_1097 = vector.shape_cast %add3A_1091 : vector<16xi32> to vector<1x16xi32>
      tpu.vector_store %arg8[%swap3A_1093, %swap3A_1094], %swap3A_1097 {strides = array<i32>} : memref<8x128xi32, #tpu.memory_space<vmem>>, vector<1x16xi32>,
      %add3A_1098 = arith.constant 14 : i32
      %add3A_1099 = arith.addi %mul3A_346, %add3A_1098 : i32
      %mul3A_1100 = arith.constant 262144 : i32
      %mul3A_1101 = arith.muli %add3A_1099, %mul3A_1100 : i32
      %add3A_1102 = vector.broadcast %mul3A_1101 : i32 to vector<16xi32>
      %add3A_1103 = arith.addi %add3A_1102, %add3A_314 : vector<16xi32>
      %swap3A_1104 = arith.constant 7 : i32
      %swap3A_1105 = arith.index_cast %swap3A_1104 : i32 to index
      %swap3A_1106 = arith.constant 32 : index
      %swap3A_1107 = tpu.vector_load %arg8[%swap3A_1105, %swap3A_1106] {strides = array<i32>} : memref<8x128xi32, #tpu.memory_space<vmem>>, vector<1x16xi32>,
      %swap3A_1108 = vector.shape_cast %swap3A_1107 : vector<1x16xi32> to vector<16xi32>
      %swap3A_1109 = vector.shape_cast %add3A_1103 : vector<16xi32> to vector<1x16xi32>
      tpu.vector_store %arg8[%swap3A_1105, %swap3A_1106], %swap3A_1109 {strides = array<i32>} : memref<8x128xi32, #tpu.memory_space<vmem>>, vector<1x16xi32>,
      %add3A_1110 = arith.constant 14 : i32
      %add3A_1111 = arith.addi %mul3A_346, %add3A_1110 : i32
      %mul3A_1112 = arith.constant 262144 : i32
      %mul3A_1113 = arith.muli %add3A_1111, %mul3A_1112 : i32
      %add3A_1114 = vector.broadcast %mul3A_1113 : i32 to vector<16xi32>
      %add3A_1115 = arith.addi %add3A_1114, %add3A_344 : vector<16xi32>
      %swap3A_1116 = arith.constant 7 : i32
      %swap3A_1117 = arith.index_cast %swap3A_1116 : i32 to index
      %swap3A_1118 = arith.constant 48 : index
      %swap3A_1119 = tpu.vector_load %arg8[%swap3A_1117, %swap3A_1118] {strides = array<i32>} : memref<8x128xi32, #tpu.memory_space<vmem>>, vector<1x16xi32>,
      %swap3A_1120 = vector.shape_cast %swap3A_1119 : vector<1x16xi32> to vector<16xi32>
      %swap3A_1121 = vector.shape_cast %add3A_1115 : vector<16xi32> to vector<1x16xi32>
      tpu.vector_store %arg8[%swap3A_1117, %swap3A_1118], %swap3A_1121 {strides = array<i32>} : memref<8x128xi32, #tpu.memory_space<vmem>>, vector<1x16xi32>,
      %add3A_1122 = arith.constant 15 : i32
      %add3A_1123 = arith.addi %mul3A_346, %add3A_1122 : i32
      %mul3A_1124 = arith.constant 262144 : i32
      %mul3A_1125 = arith.muli %add3A_1123, %mul3A_1124 : i32
      %add3A_1126 = vector.broadcast %mul3A_1125 : i32 to vector<16xi32>
      %add3A_1127 = arith.addi %add3A_1126, %add3A_254 : vector<16xi32>
      %swap3A_1128 = arith.constant 7 : i32
      %swap3A_1129 = arith.index_cast %swap3A_1128 : i32 to index
      %swap3A_1130 = arith.constant 64 : index
      %swap3A_1131 = tpu.vector_load %arg8[%swap3A_1129, %swap3A_1130] {strides = array<i32>} : memref<8x128xi32, #tpu.memory_space<vmem>>, vector<1x16xi32>,
      %swap3A_1132 = vector.shape_cast %swap3A_1131 : vector<1x16xi32> to vector<16xi32>
      %swap3A_1133 = vector.shape_cast %add3A_1127 : vector<16xi32> to vector<1x16xi32>
      tpu.vector_store %arg8[%swap3A_1129, %swap3A_1130], %swap3A_1133 {strides = array<i32>} : memref<8x128xi32, #tpu.memory_space<vmem>>, vector<1x16xi32>,
      %add3A_1134 = arith.constant 15 : i32
      %add3A_1135 = arith.addi %mul3A_346, %add3A_1134 : i32
      %mul3A_1136 = arith.constant 262144 : i32
      %mul3A_1137 = arith.muli %add3A_1135, %mul3A_1136 : i32
      %add3A_1138 = vector.broadcast %mul3A_1137 : i32 to vector<16xi32>
      %add3A_1139 = arith.addi %add3A_1138, %add3A_284 : vector<16xi32>
      %swap3A_1140 = arith.constant 7 : i32
      %swap3A_1141 = arith.index_cast %swap3A_1140 : i32 to index
      %swap3A_1142 = arith.constant 80 : index
      %swap3A_1143 = tpu.vector_load %arg8[%swap3A_1141, %swap3A_1142] {strides = array<i32>} : memref<8x128xi32, #tpu.memory_space<vmem>>, vector<1x16xi32>,
      %swap3A_1144 = vector.shape_cast %swap3A_1143 : vector<1x16xi32> to vector<16xi32>
      %swap3A_1145 = vector.shape_cast %add3A_1139 : vector<16xi32> to vector<1x16xi32>
      tpu.vector_store %arg8[%swap3A_1141, %swap3A_1142], %swap3A_1145 {strides = array<i32>} : memref<8x128xi32, #tpu.memory_space<vmem>>, vector<1x16xi32>,
      %add3A_1146 = arith.constant 15 : i32
      %add3A_1147 = arith.addi %mul3A_346, %add3A_1146 : i32
      %mul3A_1148 = arith.constant 262144 : i32
      %mul3A_1149 = arith.muli %add3A_1147, %mul3A_1148 : i32
      %add3A_1150 = vector.broadcast %mul3A_1149 : i32 to vector<16xi32>
      %add3A_1151 = arith.addi %add3A_1150, %add3A_314 : vector<16xi32>
      %swap3A_1152 = arith.constant 7 : i32
      %swap3A_1153 = arith.index_cast %swap3A_1152 : i32 to index
      %swap3A_1154 = arith.constant 96 : index
      %swap3A_1155 = tpu.vector_load %arg8[%swap3A_1153, %swap3A_1154] {strides = array<i32>} : memref<8x128xi32, #tpu.memory_space<vmem>>, vector<1x16xi32>,
      %swap3A_1156 = vector.shape_cast %swap3A_1155 : vector<1x16xi32> to vector<16xi32>
      %swap3A_1157 = vector.shape_cast %add3A_1151 : vector<16xi32> to vector<1x16xi32>
      tpu.vector_store %arg8[%swap3A_1153, %swap3A_1154], %swap3A_1157 {strides = array<i32>} : memref<8x128xi32, #tpu.memory_space<vmem>>, vector<1x16xi32>,
      %add3A_1158 = arith.constant 15 : i32
      %add3A_1159 = arith.addi %mul3A_346, %add3A_1158 : i32
      %mul3A_1160 = arith.constant 262144 : i32
      %mul3A_1161 = arith.muli %add3A_1159, %mul3A_1160 : i32
      %add3A_1162 = vector.broadcast %mul3A_1161 : i32 to vector<16xi32>
      %add3A_1163 = arith.addi %add3A_1162, %add3A_344 : vector<16xi32>
      %swap3A_1164 = arith.constant 7 : i32
      %swap3A_1165 = arith.index_cast %swap3A_1164 : i32 to index
      %swap3A_1166 = arith.constant 112 : index
      %swap3A_1167 = tpu.vector_load %arg8[%swap3A_1165, %swap3A_1166] {strides = array<i32>} : memref<8x128xi32, #tpu.memory_space<vmem>>, vector<1x16xi32>,
      %swap3A_1168 = vector.shape_cast %swap3A_1167 : vector<1x16xi32> to vector<16xi32>
      %swap3A_1169 = vector.shape_cast %add3A_1163 : vector<16xi32> to vector<1x16xi32>
      tpu.vector_store %arg8[%swap3A_1165, %swap3A_1166], %swap3A_1169 {strides = array<i32>} : memref<8x128xi32, #tpu.memory_space<vmem>>, vector<1x16xi32>,
      %dma_start3A_1170 = arith.constant 7 : i32
      %dma_start3A_1171 = arith.constant 896 : i32
      %dma_start3A_1172 = tpu.memref_slice %arg10[%dma_start3A_1171] : memref<1024xf32, #tpu.memory_space<vmem>> -> memref<128xf32, #tpu.memory_space<vmem>>
      %dma_start3A_1173 = arith.constant 0 : i32
      %dma_start3A_1174 = tpu.memref_slice %arg8[%dma_start3A_1170, %dma_start3A_1173] : memref<8x128xi32, #tpu.memory_space<vmem>> -> memref<1x128xi32, #tpu.memory_space<vmem>>
      %dma_start3A_1175 = tpu.memref_squeeze %dma_start3A_1174 : memref<1x128xi32, #tpu.memory_space<vmem>> -> memref<128xi32, #tpu.memory_space<vmem>>
      %dma_start3A_1176 = arith.constant 0 : i32
      %dma_start3A_1177 = tpu.memref_slice %arg2[%dma_start3A_1176] : memref<100663296xf32, #tpu.memory_space<hbm>> -> memref<100663296xf32, #tpu.memory_space<hbm>>
      tpu.enqueue_indirect_dma source(%dma_start3A_1177 : memref<100663296xf32, #tpu.memory_space<hbm>>) target(%dma_start3A_1172 : memref<128xf32, #tpu.memory_space<vmem>>) offsets(%dma_start3A_1175 : memref<128xi32, #tpu.memory_space<vmem>>) semaphore(%arg15 : memref<!tpu.dma_semaphore, #tpu.memory_space<semaphore_mem>>)
      %dma_wait3A = arith.constant 0 : i32
      %dma_wait3A_1178 = arith.constant 0 : i32
      %dma_wait3A_1179 = tpu.memref_slice %arg10[%dma_wait3A_1178] : memref<1024xf32, #tpu.memory_space<vmem>> -> memref<128xf32, #tpu.memory_space<vmem>>
      %dma_wait3A_1180 = arith.constant 0 : i32
      %dma_wait3A_1181 = tpu.memref_slice %arg8[%dma_wait3A, %dma_wait3A_1180] : memref<8x128xi32, #tpu.memory_space<vmem>> -> memref<1x128xi32, #tpu.memory_space<vmem>>
      %dma_wait3A_1182 = tpu.memref_squeeze %dma_wait3A_1181 : memref<1x128xi32, #tpu.memory_space<vmem>> -> memref<128xi32, #tpu.memory_space<vmem>>
      %dma_wait3A_1183 = arith.constant 0 : i32
      %dma_wait3A_1184 = tpu.memref_slice %arg2[%dma_wait3A_1183] : memref<100663296xf32, #tpu.memory_space<hbm>> -> memref<100663296xf32, #tpu.memory_space<hbm>>
      tpu.wait_indirect_dma semaphore(%arg15 : memref<!tpu.dma_semaphore, #tpu.memory_space<semaphore_mem>>) src(%dma_wait3A_1184 : memref<100663296xf32, #tpu.memory_space<hbm>>) dst(%dma_wait3A_1179 : memref<128xf32, #tpu.memory_space<vmem>>)
      %dma_wait3A_1185 = arith.constant 1 : i32
      %dma_wait3A_1186 = arith.constant 128 : i32
      %dma_wait3A_1187 = tpu.memref_slice %arg10[%dma_wait3A_1186] : memref<1024xf32, #tpu.memory_space<vmem>> -> memref<128xf32, #tpu.memory_space<vmem>>
      %dma_wait3A_1188 = arith.constant 0 : i32
      %dma_wait3A_1189 = tpu.memref_slice %arg8[%dma_wait3A_1185, %dma_wait3A_1188] : memref<8x128xi32, #tpu.memory_space<vmem>> -> memref<1x128xi32, #tpu.memory_space<vmem>>
      %dma_wait3A_1190 = tpu.memref_squeeze %dma_wait3A_1189 : memref<1x128xi32, #tpu.memory_space<vmem>> -> memref<128xi32, #tpu.memory_space<vmem>>
      %dma_wait3A_1191 = arith.constant 0 : i32
      %dma_wait3A_1192 = tpu.memref_slice %arg2[%dma_wait3A_1191] : memref<100663296xf32, #tpu.memory_space<hbm>> -> memref<100663296xf32, #tpu.memory_space<hbm>>
      tpu.wait_indirect_dma semaphore(%arg15 : memref<!tpu.dma_semaphore, #tpu.memory_space<semaphore_mem>>) src(%dma_wait3A_1192 : memref<100663296xf32, #tpu.memory_space<hbm>>) dst(%dma_wait3A_1187 : memref<128xf32, #tpu.memory_space<vmem>>)
      %dma_wait3A_1193 = arith.constant 2 : i32
      %dma_wait3A_1194 = arith.constant 256 : i32
      %dma_wait3A_1195 = tpu.memref_slice %arg10[%dma_wait3A_1194] : memref<1024xf32, #tpu.memory_space<vmem>> -> memref<128xf32, #tpu.memory_space<vmem>>
      %dma_wait3A_1196 = arith.constant 0 : i32
      %dma_wait3A_1197 = tpu.memref_slice %arg8[%dma_wait3A_1193, %dma_wait3A_1196] : memref<8x128xi32, #tpu.memory_space<vmem>> -> memref<1x128xi32, #tpu.memory_space<vmem>>
      %dma_wait3A_1198 = tpu.memref_squeeze %dma_wait3A_1197 : memref<1x128xi32, #tpu.memory_space<vmem>> -> memref<128xi32, #tpu.memory_space<vmem>>
      %dma_wait3A_1199 = arith.constant 0 : i32
      %dma_wait3A_1200 = tpu.memref_slice %arg2[%dma_wait3A_1199] : memref<100663296xf32, #tpu.memory_space<hbm>> -> memref<100663296xf32, #tpu.memory_space<hbm>>
      tpu.wait_indirect_dma semaphore(%arg15 : memref<!tpu.dma_semaphore, #tpu.memory_space<semaphore_mem>>) src(%dma_wait3A_1200 : memref<100663296xf32, #tpu.memory_space<hbm>>) dst(%dma_wait3A_1195 : memref<128xf32, #tpu.memory_space<vmem>>)
      %dma_wait3A_1201 = arith.constant 3 : i32
      %dma_wait3A_1202 = arith.constant 384 : i32
      %dma_wait3A_1203 = tpu.memref_slice %arg10[%dma_wait3A_1202] : memref<1024xf32, #tpu.memory_space<vmem>> -> memref<128xf32, #tpu.memory_space<vmem>>
      %dma_wait3A_1204 = arith.constant 0 : i32
      %dma_wait3A_1205 = tpu.memref_slice %arg8[%dma_wait3A_1201, %dma_wait3A_1204] : memref<8x128xi32, #tpu.memory_space<vmem>> -> memref<1x128xi32, #tpu.memory_space<vmem>>
      %dma_wait3A_1206 = tpu.memref_squeeze %dma_wait3A_1205 : memref<1x128xi32, #tpu.memory_space<vmem>> -> memref<128xi32, #tpu.memory_space<vmem>>
      %dma_wait3A_1207 = arith.constant 0 : i32
      %dma_wait3A_1208 = tpu.memref_slice %arg2[%dma_wait3A_1207] : memref<100663296xf32, #tpu.memory_space<hbm>> -> memref<100663296xf32, #tpu.memory_space<hbm>>
      tpu.wait_indirect_dma semaphore(%arg15 : memref<!tpu.dma_semaphore, #tpu.memory_space<semaphore_mem>>) src(%dma_wait3A_1208 : memref<100663296xf32, #tpu.memory_space<hbm>>) dst(%dma_wait3A_1203 : memref<128xf32, #tpu.memory_space<vmem>>)
      %dma_wait3A_1209 = arith.constant 4 : i32
      %dma_wait3A_1210 = arith.constant 512 : i32
      %dma_wait3A_1211 = tpu.memref_slice %arg10[%dma_wait3A_1210] : memref<1024xf32, #tpu.memory_space<vmem>> -> memref<128xf32, #tpu.memory_space<vmem>>
      %dma_wait3A_1212 = arith.constant 0 : i32
      %dma_wait3A_1213 = tpu.memref_slice %arg8[%dma_wait3A_1209, %dma_wait3A_1212] : memref<8x128xi32, #tpu.memory_space<vmem>> -> memref<1x128xi32, #tpu.memory_space<vmem>>
      %dma_wait3A_1214 = tpu.memref_squeeze %dma_wait3A_1213 : memref<1x128xi32, #tpu.memory_space<vmem>> -> memref<128xi32, #tpu.memory_space<vmem>>
      %dma_wait3A_1215 = arith.constant 0 : i32
      %dma_wait3A_1216 = tpu.memref_slice %arg2[%dma_wait3A_1215] : memref<100663296xf32, #tpu.memory_space<hbm>> -> memref<100663296xf32, #tpu.memory_space<hbm>>
      tpu.wait_indirect_dma semaphore(%arg15 : memref<!tpu.dma_semaphore, #tpu.memory_space<semaphore_mem>>) src(%dma_wait3A_1216 : memref<100663296xf32, #tpu.memory_space<hbm>>) dst(%dma_wait3A_1211 : memref<128xf32, #tpu.memory_space<vmem>>)
      %dma_wait3A_1217 = arith.constant 5 : i32
      %dma_wait3A_1218 = arith.constant 640 : i32
      %dma_wait3A_1219 = tpu.memref_slice %arg10[%dma_wait3A_1218] : memref<1024xf32, #tpu.memory_space<vmem>> -> memref<128xf32, #tpu.memory_space<vmem>>
      %dma_wait3A_1220 = arith.constant 0 : i32
      %dma_wait3A_1221 = tpu.memref_slice %arg8[%dma_wait3A_1217, %dma_wait3A_1220] : memref<8x128xi32, #tpu.memory_space<vmem>> -> memref<1x128xi32, #tpu.memory_space<vmem>>
      %dma_wait3A_1222 = tpu.memref_squeeze %dma_wait3A_1221 : memref<1x128xi32, #tpu.memory_space<vmem>> -> memref<128xi32, #tpu.memory_space<vmem>>
      %dma_wait3A_1223 = arith.constant 0 : i32
      %dma_wait3A_1224 = tpu.memref_slice %arg2[%dma_wait3A_1223] : memref<100663296xf32, #tpu.memory_space<hbm>> -> memref<100663296xf32, #tpu.memory_space<hbm>>
      tpu.wait_indirect_dma semaphore(%arg15 : memref<!tpu.dma_semaphore, #tpu.memory_space<semaphore_mem>>) src(%dma_wait3A_1224 : memref<100663296xf32, #tpu.memory_space<hbm>>) dst(%dma_wait3A_1219 : memref<128xf32, #tpu.memory_space<vmem>>)
      %dma_wait3A_1225 = arith.constant 6 : i32
      %dma_wait3A_1226 = arith.constant 768 : i32
      %dma_wait3A_1227 = tpu.memref_slice %arg10[%dma_wait3A_1226] : memref<1024xf32, #tpu.memory_space<vmem>> -> memref<128xf32, #tpu.memory_space<vmem>>
      %dma_wait3A_1228 = arith.constant 0 : i32
      %dma_wait3A_1229 = tpu.memref_slice %arg8[%dma_wait3A_1225, %dma_wait3A_1228] : memref<8x128xi32, #tpu.memory_space<vmem>> -> memref<1x128xi32, #tpu.memory_space<vmem>>
      %dma_wait3A_1230 = tpu.memref_squeeze %dma_wait3A_1229 : memref<1x128xi32, #tpu.memory_space<vmem>> -> memref<128xi32, #tpu.memory_space<vmem>>
      %dma_wait3A_1231 = arith.constant 0 : i32
      %dma_wait3A_1232 = tpu.memref_slice %arg2[%dma_wait3A_1231] : memref<100663296xf32, #tpu.memory_space<hbm>> -> memref<100663296xf32, #tpu.memory_space<hbm>>
      tpu.wait_indirect_dma semaphore(%arg15 : memref<!tpu.dma_semaphore, #tpu.memory_space<semaphore_mem>>) src(%dma_wait3A_1232 : memref<100663296xf32, #tpu.memory_space<hbm>>) dst(%dma_wait3A_1227 : memref<128xf32, #tpu.memory_space<vmem>>)
      %dma_wait3A_1233 = arith.constant 7 : i32
      %dma_wait3A_1234 = arith.constant 896 : i32
      %dma_wait3A_1235 = tpu.memref_slice %arg10[%dma_wait3A_1234] : memref<1024xf32, #tpu.memory_space<vmem>> -> memref<128xf32, #tpu.memory_space<vmem>>
      %dma_wait3A_1236 = arith.constant 0 : i32
      %dma_wait3A_1237 = tpu.memref_slice %arg8[%dma_wait3A_1233, %dma_wait3A_1236] : memref<8x128xi32, #tpu.memory_space<vmem>> -> memref<1x128xi32, #tpu.memory_space<vmem>>
      %dma_wait3A_1238 = tpu.memref_squeeze %dma_wait3A_1237 : memref<1x128xi32, #tpu.memory_space<vmem>> -> memref<128xi32, #tpu.memory_space<vmem>>
      %dma_wait3A_1239 = arith.constant 0 : i32
      %dma_wait3A_1240 = tpu.memref_slice %arg2[%dma_wait3A_1239] : memref<100663296xf32, #tpu.memory_space<hbm>> -> memref<100663296xf32, #tpu.memory_space<hbm>>
      tpu.wait_indirect_dma semaphore(%arg15 : memref<!tpu.dma_semaphore, #tpu.memory_space<semaphore_mem>>) src(%dma_wait3A_1240 : memref<100663296xf32, #tpu.memory_space<hbm>>) dst(%dma_wait3A_1235 : memref<128xf32, #tpu.memory_space<vmem>>)
      %broadcast_in_dim3A = arith.constant 0.000000e+00 : f32
      %broadcast_in_dim3A_1241 = vector.broadcast %broadcast_in_dim3A : f32 to vector<16xf32>
      %get3A_1242 = arith.constant 0 : index
      %get3A_1243 = tpu.vector_load %arg10[%get3A_1242] {strides = array<i32>} : memref<1024xf32, #tpu.memory_space<vmem>>, vector<16xf32>,
      %get3A_1244 = vector.shape_cast %get3A_1243 : vector<16xf32> to vector<16xf32>
      %mul3A_1245 = arith.mulf %get3A_1244, %get3A_1244 : vector<16xf32>
      %add3A_1246 = arith.addf %broadcast_in_dim3A_1241, %mul3A_1245 : vector<16xf32>
      %get3A_1247 = arith.constant 16 : index
      %get3A_1248 = tpu.vector_load %arg10[%get3A_1247] {strides = array<i32>} : memref<1024xf32, #tpu.memory_space<vmem>>, vector<16xf32>,
      %get3A_1249 = vector.shape_cast %get3A_1248 : vector<16xf32> to vector<16xf32>
      %mul3A_1250 = arith.mulf %get3A_1249, %get3A_1249 : vector<16xf32>
      %add3A_1251 = arith.addf %add3A_1246, %mul3A_1250 : vector<16xf32>
      %get3A_1252 = arith.constant 32 : index
      %get3A_1253 = tpu.vector_load %arg10[%get3A_1252] {strides = array<i32>} : memref<1024xf32, #tpu.memory_space<vmem>>, vector<16xf32>,
      %get3A_1254 = vector.shape_cast %get3A_1253 : vector<16xf32> to vector<16xf32>
      %mul3A_1255 = arith.mulf %get3A_1254, %get3A_1254 : vector<16xf32>
      %add3A_1256 = arith.addf %add3A_1251, %mul3A_1255 : vector<16xf32>
      %get3A_1257 = arith.constant 48 : index
      %get3A_1258 = tpu.vector_load %arg10[%get3A_1257] {strides = array<i32>} : memref<1024xf32, #tpu.memory_space<vmem>>, vector<16xf32>,
      %get3A_1259 = vector.shape_cast %get3A_1258 : vector<16xf32> to vector<16xf32>
      %mul3A_1260 = arith.mulf %get3A_1259, %get3A_1259 : vector<16xf32>
      %add3A_1261 = arith.addf %add3A_1256, %mul3A_1260 : vector<16xf32>
      %swap3A_1262 = arith.constant 0 : index
      %swap3A_1263 = tpu.vector_load %arg11[%swap3A_1262] {strides = array<i32>} : memref<256xf32, #tpu.memory_space<vmem>>, vector<16xf32>,
      %swap3A_1264 = vector.shape_cast %swap3A_1263 : vector<16xf32> to vector<16xf32>
      %swap3A_1265 = vector.shape_cast %add3A_1261 : vector<16xf32> to vector<16xf32>
      tpu.vector_store %arg11[%swap3A_1262], %swap3A_1265 {strides = array<i32>} : memref<256xf32, #tpu.memory_space<vmem>>, vector<16xf32>,
      %broadcast_in_dim3A_1266 = arith.constant 0.000000e+00 : f32
      %broadcast_in_dim3A_1267 = vector.broadcast %broadcast_in_dim3A_1266 : f32 to vector<16xf32>
      %get3A_1268 = arith.constant 64 : index
      %get3A_1269 = tpu.vector_load %arg10[%get3A_1268] {strides = array<i32>} : memref<1024xf32, #tpu.memory_space<vmem>>, vector<16xf32>,
      %get3A_1270 = vector.shape_cast %get3A_1269 : vector<16xf32> to vector<16xf32>
      %mul3A_1271 = arith.mulf %get3A_1270, %get3A_1270 : vector<16xf32>
      %add3A_1272 = arith.addf %broadcast_in_dim3A_1267, %mul3A_1271 : vector<16xf32>
      %get3A_1273 = arith.constant 80 : index
      %get3A_1274 = tpu.vector_load %arg10[%get3A_1273] {strides = array<i32>} : memref<1024xf32, #tpu.memory_space<vmem>>, vector<16xf32>,
      %get3A_1275 = vector.shape_cast %get3A_1274 : vector<16xf32> to vector<16xf32>
      %mul3A_1276 = arith.mulf %get3A_1275, %get3A_1275 : vector<16xf32>
      %add3A_1277 = arith.addf %add3A_1272, %mul3A_1276 : vector<16xf32>
      %get3A_1278 = arith.constant 96 : index
      %get3A_1279 = tpu.vector_load %arg10[%get3A_1278] {strides = array<i32>} : memref<1024xf32, #tpu.memory_space<vmem>>, vector<16xf32>,
      %get3A_1280 = vector.shape_cast %get3A_1279 : vector<16xf32> to vector<16xf32>
      %mul3A_1281 = arith.mulf %get3A_1280, %get3A_1280 : vector<16xf32>
      %add3A_1282 = arith.addf %add3A_1277, %mul3A_1281 : vector<16xf32>
      %get3A_1283 = arith.constant 112 : index
      %get3A_1284 = tpu.vector_load %arg10[%get3A_1283] {strides = array<i32>} : memref<1024xf32, #tpu.memory_space<vmem>>, vector<16xf32>,
      %get3A_1285 = vector.shape_cast %get3A_1284 : vector<16xf32> to vector<16xf32>
      %mul3A_1286 = arith.mulf %get3A_1285, %get3A_1285 : vector<16xf32>
      %add3A_1287 = arith.addf %add3A_1282, %mul3A_1286 : vector<16xf32>
      %swap3A_1288 = arith.constant 16 : index
      %swap3A_1289 = tpu.vector_load %arg11[%swap3A_1288] {strides = array<i32>} : memref<256xf32, #tpu.memory_space<vmem>>, vector<16xf32>,
      %swap3A_1290 = vector.shape_cast %swap3A_1289 : vector<16xf32> to vector<16xf32>
      %swap3A_1291 = vector.shape_cast %add3A_1287 : vector<16xf32> to vector<16xf32>
      tpu.vector_store %arg11[%swap3A_1288], %swap3A_1291 {strides = array<i32>} : memref<256xf32, #tpu.memory_space<vmem>>, vector<16xf32>,
      %broadcast_in_dim3A_1292 = arith.constant 0.000000e+00 : f32
      %broadcast_in_dim3A_1293 = vector.broadcast %broadcast_in_dim3A_1292 : f32 to vector<16xf32>
      %get3A_1294 = arith.constant 128 : index
      %get3A_1295 = tpu.vector_load %arg10[%get3A_1294] {strides = array<i32>} : memref<1024xf32, #tpu.memory_space<vmem>>, vector<16xf32>,
      %get3A_1296 = vector.shape_cast %get3A_1295 : vector<16xf32> to vector<16xf32>
      %mul3A_1297 = arith.mulf %get3A_1296, %get3A_1296 : vector<16xf32>
      %add3A_1298 = arith.addf %broadcast_in_dim3A_1293, %mul3A_1297 : vector<16xf32>
      %get3A_1299 = arith.constant 144 : index
      %get3A_1300 = tpu.vector_load %arg10[%get3A_1299] {strides = array<i32>} : memref<1024xf32, #tpu.memory_space<vmem>>, vector<16xf32>,
      %get3A_1301 = vector.shape_cast %get3A_1300 : vector<16xf32> to vector<16xf32>
      %mul3A_1302 = arith.mulf %get3A_1301, %get3A_1301 : vector<16xf32>
      %add3A_1303 = arith.addf %add3A_1298, %mul3A_1302 : vector<16xf32>
      %get3A_1304 = arith.constant 160 : index
      %get3A_1305 = tpu.vector_load %arg10[%get3A_1304] {strides = array<i32>} : memref<1024xf32, #tpu.memory_space<vmem>>, vector<16xf32>,
      %get3A_1306 = vector.shape_cast %get3A_1305 : vector<16xf32> to vector<16xf32>
      %mul3A_1307 = arith.mulf %get3A_1306, %get3A_1306 : vector<16xf32>
      %add3A_1308 = arith.addf %add3A_1303, %mul3A_1307 : vector<16xf32>
      %get3A_1309 = arith.constant 176 : index
      %get3A_1310 = tpu.vector_load %arg10[%get3A_1309] {strides = array<i32>} : memref<1024xf32, #tpu.memory_space<vmem>>, vector<16xf32>,
      %get3A_1311 = vector.shape_cast %get3A_1310 : vector<16xf32> to vector<16xf32>
      %mul3A_1312 = arith.mulf %get3A_1311, %get3A_1311 : vector<16xf32>
      %add3A_1313 = arith.addf %add3A_1308, %mul3A_1312 : vector<16xf32>
      %swap3A_1314 = arith.constant 32 : index
      %swap3A_1315 = tpu.vector_load %arg11[%swap3A_1314] {strides = array<i32>} : memref<256xf32, #tpu.memory_space<vmem>>, vector<16xf32>,
      %swap3A_1316 = vector.shape_cast %swap3A_1315 : vector<16xf32> to vector<16xf32>
      %swap3A_1317 = vector.shape_cast %add3A_1313 : vector<16xf32> to vector<16xf32>
      tpu.vector_store %arg11[%swap3A_1314], %swap3A_1317 {strides = array<i32>} : memref<256xf32, #tpu.memory_space<vmem>>, vector<16xf32>,
      %broadcast_in_dim3A_1318 = arith.constant 0.000000e+00 : f32
      %broadcast_in_dim3A_1319 = vector.broadcast %broadcast_in_dim3A_1318 : f32 to vector<16xf32>
      %get3A_1320 = arith.constant 192 : index
      %get3A_1321 = tpu.vector_load %arg10[%get3A_1320] {strides = array<i32>} : memref<1024xf32, #tpu.memory_space<vmem>>, vector<16xf32>,
      %get3A_1322 = vector.shape_cast %get3A_1321 : vector<16xf32> to vector<16xf32>
      %mul3A_1323 = arith.mulf %get3A_1322, %get3A_1322 : vector<16xf32>
      %add3A_1324 = arith.addf %broadcast_in_dim3A_1319, %mul3A_1323 : vector<16xf32>
      %get3A_1325 = arith.constant 208 : index
      %get3A_1326 = tpu.vector_load %arg10[%get3A_1325] {strides = array<i32>} : memref<1024xf32, #tpu.memory_space<vmem>>, vector<16xf32>,
      %get3A_1327 = vector.shape_cast %get3A_1326 : vector<16xf32> to vector<16xf32>
      %mul3A_1328 = arith.mulf %get3A_1327, %get3A_1327 : vector<16xf32>
      %add3A_1329 = arith.addf %add3A_1324, %mul3A_1328 : vector<16xf32>
      %get3A_1330 = arith.constant 224 : index
      %get3A_1331 = tpu.vector_load %arg10[%get3A_1330] {strides = array<i32>} : memref<1024xf32, #tpu.memory_space<vmem>>, vector<16xf32>,
      %get3A_1332 = vector.shape_cast %get3A_1331 : vector<16xf32> to vector<16xf32>
      %mul3A_1333 = arith.mulf %get3A_1332, %get3A_1332 : vector<16xf32>
      %add3A_1334 = arith.addf %add3A_1329, %mul3A_1333 : vector<16xf32>
      %get3A_1335 = arith.constant 240 : index
      %get3A_1336 = tpu.vector_load %arg10[%get3A_1335] {strides = array<i32>} : memref<1024xf32, #tpu.memory_space<vmem>>, vector<16xf32>,
      %get3A_1337 = vector.shape_cast %get3A_1336 : vector<16xf32> to vector<16xf32>
      %mul3A_1338 = arith.mulf %get3A_1337, %get3A_1337 : vector<16xf32>
      %add3A_1339 = arith.addf %add3A_1334, %mul3A_1338 : vector<16xf32>
      %swap3A_1340 = arith.constant 48 : index
      %swap3A_1341 = tpu.vector_load %arg11[%swap3A_1340] {strides = array<i32>} : memref<256xf32, #tpu.memory_space<vmem>>, vector<16xf32>,
      %swap3A_1342 = vector.shape_cast %swap3A_1341 : vector<16xf32> to vector<16xf32>
      %swap3A_1343 = vector.shape_cast %add3A_1339 : vector<16xf32> to vector<16xf32>
      tpu.vector_store %arg11[%swap3A_1340], %swap3A_1343 {strides = array<i32>} : memref<256xf32, #tpu.memory_space<vmem>>, vector<16xf32>,
      %broadcast_in_dim3A_1344 = arith.constant 0.000000e+00 : f32
      %broadcast_in_dim3A_1345 = vector.broadcast %broadcast_in_dim3A_1344 : f32 to vector<16xf32>
      %get3A_1346 = arith.constant 256 : index
      %get3A_1347 = tpu.vector_load %arg10[%get3A_1346] {strides = array<i32>} : memref<1024xf32, #tpu.memory_space<vmem>>, vector<16xf32>,
      %get3A_1348 = vector.shape_cast %get3A_1347 : vector<16xf32> to vector<16xf32>
      %mul3A_1349 = arith.mulf %get3A_1348, %get3A_1348 : vector<16xf32>
      %add3A_1350 = arith.addf %broadcast_in_dim3A_1345, %mul3A_1349 : vector<16xf32>
      %get3A_1351 = arith.constant 272 : index
      %get3A_1352 = tpu.vector_load %arg10[%get3A_1351] {strides = array<i32>} : memref<1024xf32, #tpu.memory_space<vmem>>, vector<16xf32>,
      %get3A_1353 = vector.shape_cast %get3A_1352 : vector<16xf32> to vector<16xf32>
      %mul3A_1354 = arith.mulf %get3A_1353, %get3A_1353 : vector<16xf32>
      %add3A_1355 = arith.addf %add3A_1350, %mul3A_1354 : vector<16xf32>
      %get3A_1356 = arith.constant 288 : index
      %get3A_1357 = tpu.vector_load %arg10[%get3A_1356] {strides = array<i32>} : memref<1024xf32, #tpu.memory_space<vmem>>, vector<16xf32>,
      %get3A_1358 = vector.shape_cast %get3A_1357 : vector<16xf32> to vector<16xf32>
      %mul3A_1359 = arith.mulf %get3A_1358, %get3A_1358 : vector<16xf32>
      %add3A_1360 = arith.addf %add3A_1355, %mul3A_1359 : vector<16xf32>
      %get3A_1361 = arith.constant 304 : index
      %get3A_1362 = tpu.vector_load %arg10[%get3A_1361] {strides = array<i32>} : memref<1024xf32, #tpu.memory_space<vmem>>, vector<16xf32>,
      %get3A_1363 = vector.shape_cast %get3A_1362 : vector<16xf32> to vector<16xf32>
      %mul3A_1364 = arith.mulf %get3A_1363, %get3A_1363 : vector<16xf32>
      %add3A_1365 = arith.addf %add3A_1360, %mul3A_1364 : vector<16xf32>
      %swap3A_1366 = arith.constant 64 : index
      %swap3A_1367 = tpu.vector_load %arg11[%swap3A_1366] {strides = array<i32>} : memref<256xf32, #tpu.memory_space<vmem>>, vector<16xf32>,
      %swap3A_1368 = vector.shape_cast %swap3A_1367 : vector<16xf32> to vector<16xf32>
      %swap3A_1369 = vector.shape_cast %add3A_1365 : vector<16xf32> to vector<16xf32>
      tpu.vector_store %arg11[%swap3A_1366], %swap3A_1369 {strides = array<i32>} : memref<256xf32, #tpu.memory_space<vmem>>, vector<16xf32>,
      %broadcast_in_dim3A_1370 = arith.constant 0.000000e+00 : f32
      %broadcast_in_dim3A_1371 = vector.broadcast %broadcast_in_dim3A_1370 : f32 to vector<16xf32>
      %get3A_1372 = arith.constant 320 : index
      %get3A_1373 = tpu.vector_load %arg10[%get3A_1372] {strides = array<i32>} : memref<1024xf32, #tpu.memory_space<vmem>>, vector<16xf32>,
      %get3A_1374 = vector.shape_cast %get3A_1373 : vector<16xf32> to vector<16xf32>
      %mul3A_1375 = arith.mulf %get3A_1374, %get3A_1374 : vector<16xf32>
      %add3A_1376 = arith.addf %broadcast_in_dim3A_1371, %mul3A_1375 : vector<16xf32>
      %get3A_1377 = arith.constant 336 : index
      %get3A_1378 = tpu.vector_load %arg10[%get3A_1377] {strides = array<i32>} : memref<1024xf32, #tpu.memory_space<vmem>>, vector<16xf32>,
      %get3A_1379 = vector.shape_cast %get3A_1378 : vector<16xf32> to vector<16xf32>
      %mul3A_1380 = arith.mulf %get3A_1379, %get3A_1379 : vector<16xf32>
      %add3A_1381 = arith.addf %add3A_1376, %mul3A_1380 : vector<16xf32>
      %get3A_1382 = arith.constant 352 : index
      %get3A_1383 = tpu.vector_load %arg10[%get3A_1382] {strides = array<i32>} : memref<1024xf32, #tpu.memory_space<vmem>>, vector<16xf32>,
      %get3A_1384 = vector.shape_cast %get3A_1383 : vector<16xf32> to vector<16xf32>
      %mul3A_1385 = arith.mulf %get3A_1384, %get3A_1384 : vector<16xf32>
      %add3A_1386 = arith.addf %add3A_1381, %mul3A_1385 : vector<16xf32>
      %get3A_1387 = arith.constant 368 : index
      %get3A_1388 = tpu.vector_load %arg10[%get3A_1387] {strides = array<i32>} : memref<1024xf32, #tpu.memory_space<vmem>>, vector<16xf32>,
      %get3A_1389 = vector.shape_cast %get3A_1388 : vector<16xf32> to vector<16xf32>
      %mul3A_1390 = arith.mulf %get3A_1389, %get3A_1389 : vector<16xf32>
      %add3A_1391 = arith.addf %add3A_1386, %mul3A_1390 : vector<16xf32>
      %swap3A_1392 = arith.constant 80 : index
      %swap3A_1393 = tpu.vector_load %arg11[%swap3A_1392] {strides = array<i32>} : memref<256xf32, #tpu.memory_space<vmem>>, vector<16xf32>,
      %swap3A_1394 = vector.shape_cast %swap3A_1393 : vector<16xf32> to vector<16xf32>
      %swap3A_1395 = vector.shape_cast %add3A_1391 : vector<16xf32> to vector<16xf32>
      tpu.vector_store %arg11[%swap3A_1392], %swap3A_1395 {strides = array<i32>} : memref<256xf32, #tpu.memory_space<vmem>>, vector<16xf32>,
      %broadcast_in_dim3A_1396 = arith.constant 0.000000e+00 : f32
      %broadcast_in_dim3A_1397 = vector.broadcast %broadcast_in_dim3A_1396 : f32 to vector<16xf32>
      %get3A_1398 = arith.constant 384 : index
      %get3A_1399 = tpu.vector_load %arg10[%get3A_1398] {strides = array<i32>} : memref<1024xf32, #tpu.memory_space<vmem>>, vector<16xf32>,
      %get3A_1400 = vector.shape_cast %get3A_1399 : vector<16xf32> to vector<16xf32>
      %mul3A_1401 = arith.mulf %get3A_1400, %get3A_1400 : vector<16xf32>
      %add3A_1402 = arith.addf %broadcast_in_dim3A_1397, %mul3A_1401 : vector<16xf32>
      %get3A_1403 = arith.constant 400 : index
      %get3A_1404 = tpu.vector_load %arg10[%get3A_1403] {strides = array<i32>} : memref<1024xf32, #tpu.memory_space<vmem>>, vector<16xf32>,
      %get3A_1405 = vector.shape_cast %get3A_1404 : vector<16xf32> to vector<16xf32>
      %mul3A_1406 = arith.mulf %get3A_1405, %get3A_1405 : vector<16xf32>
      %add3A_1407 = arith.addf %add3A_1402, %mul3A_1406 : vector<16xf32>
      %get3A_1408 = arith.constant 416 : index
      %get3A_1409 = tpu.vector_load %arg10[%get3A_1408] {strides = array<i32>} : memref<1024xf32, #tpu.memory_space<vmem>>, vector<16xf32>,
      %get3A_1410 = vector.shape_cast %get3A_1409 : vector<16xf32> to vector<16xf32>
      %mul3A_1411 = arith.mulf %get3A_1410, %get3A_1410 : vector<16xf32>
      %add3A_1412 = arith.addf %add3A_1407, %mul3A_1411 : vector<16xf32>
      %get3A_1413 = arith.constant 432 : index
      %get3A_1414 = tpu.vector_load %arg10[%get3A_1413] {strides = array<i32>} : memref<1024xf32, #tpu.memory_space<vmem>>, vector<16xf32>,
      %get3A_1415 = vector.shape_cast %get3A_1414 : vector<16xf32> to vector<16xf32>
      %mul3A_1416 = arith.mulf %get3A_1415, %get3A_1415 : vector<16xf32>
      %add3A_1417 = arith.addf %add3A_1412, %mul3A_1416 : vector<16xf32>
      %swap3A_1418 = arith.constant 96 : index
      %swap3A_1419 = tpu.vector_load %arg11[%swap3A_1418] {strides = array<i32>} : memref<256xf32, #tpu.memory_space<vmem>>, vector<16xf32>,
      %swap3A_1420 = vector.shape_cast %swap3A_1419 : vector<16xf32> to vector<16xf32>
      %swap3A_1421 = vector.shape_cast %add3A_1417 : vector<16xf32> to vector<16xf32>
      tpu.vector_store %arg11[%swap3A_1418], %swap3A_1421 {strides = array<i32>} : memref<256xf32, #tpu.memory_space<vmem>>, vector<16xf32>,
      %broadcast_in_dim3A_1422 = arith.constant 0.000000e+00 : f32
      %broadcast_in_dim3A_1423 = vector.broadcast %broadcast_in_dim3A_1422 : f32 to vector<16xf32>
      %get3A_1424 = arith.constant 448 : index
      %get3A_1425 = tpu.vector_load %arg10[%get3A_1424] {strides = array<i32>} : memref<1024xf32, #tpu.memory_space<vmem>>, vector<16xf32>,
      %get3A_1426 = vector.shape_cast %get3A_1425 : vector<16xf32> to vector<16xf32>
      %mul3A_1427 = arith.mulf %get3A_1426, %get3A_1426 : vector<16xf32>
      %add3A_1428 = arith.addf %broadcast_in_dim3A_1423, %mul3A_1427 : vector<16xf32>
      %get3A_1429 = arith.constant 464 : index
      %get3A_1430 = tpu.vector_load %arg10[%get3A_1429] {strides = array<i32>} : memref<1024xf32, #tpu.memory_space<vmem>>, vector<16xf32>,
      %get3A_1431 = vector.shape_cast %get3A_1430 : vector<16xf32> to vector<16xf32>
      %mul3A_1432 = arith.mulf %get3A_1431, %get3A_1431 : vector<16xf32>
      %add3A_1433 = arith.addf %add3A_1428, %mul3A_1432 : vector<16xf32>
      %get3A_1434 = arith.constant 480 : index
      %get3A_1435 = tpu.vector_load %arg10[%get3A_1434] {strides = array<i32>} : memref<1024xf32, #tpu.memory_space<vmem>>, vector<16xf32>,
      %get3A_1436 = vector.shape_cast %get3A_1435 : vector<16xf32> to vector<16xf32>
      %mul3A_1437 = arith.mulf %get3A_1436, %get3A_1436 : vector<16xf32>
      %add3A_1438 = arith.addf %add3A_1433, %mul3A_1437 : vector<16xf32>
      %get3A_1439 = arith.constant 496 : index
      %get3A_1440 = tpu.vector_load %arg10[%get3A_1439] {strides = array<i32>} : memref<1024xf32, #tpu.memory_space<vmem>>, vector<16xf32>,
      %get3A_1441 = vector.shape_cast %get3A_1440 : vector<16xf32> to vector<16xf32>
      %mul3A_1442 = arith.mulf %get3A_1441, %get3A_1441 : vector<16xf32>
      %add3A_1443 = arith.addf %add3A_1438, %mul3A_1442 : vector<16xf32>
      %swap3A_1444 = arith.constant 112 : index
      %swap3A_1445 = tpu.vector_load %arg11[%swap3A_1444] {strides = array<i32>} : memref<256xf32, #tpu.memory_space<vmem>>, vector<16xf32>,
      %swap3A_1446 = vector.shape_cast %swap3A_1445 : vector<16xf32> to vector<16xf32>
      %swap3A_1447 = vector.shape_cast %add3A_1443 : vector<16xf32> to vector<16xf32>
      tpu.vector_store %arg11[%swap3A_1444], %swap3A_1447 {strides = array<i32>} : memref<256xf32, #tpu.memory_space<vmem>>, vector<16xf32>,
      %broadcast_in_dim3A_1448 = arith.constant 0.000000e+00 : f32
      %broadcast_in_dim3A_1449 = vector.broadcast %broadcast_in_dim3A_1448 : f32 to vector<16xf32>
      %get3A_1450 = arith.constant 512 : index
      %get3A_1451 = tpu.vector_load %arg10[%get3A_1450] {strides = array<i32>} : memref<1024xf32, #tpu.memory_space<vmem>>, vector<16xf32>,
      %get3A_1452 = vector.shape_cast %get3A_1451 : vector<16xf32> to vector<16xf32>
      %mul3A_1453 = arith.mulf %get3A_1452, %get3A_1452 : vector<16xf32>
      %add3A_1454 = arith.addf %broadcast_in_dim3A_1449, %mul3A_1453 : vector<16xf32>
      %get3A_1455 = arith.constant 528 : index
      %get3A_1456 = tpu.vector_load %arg10[%get3A_1455] {strides = array<i32>} : memref<1024xf32, #tpu.memory_space<vmem>>, vector<16xf32>,
      %get3A_1457 = vector.shape_cast %get3A_1456 : vector<16xf32> to vector<16xf32>
      %mul3A_1458 = arith.mulf %get3A_1457, %get3A_1457 : vector<16xf32>
      %add3A_1459 = arith.addf %add3A_1454, %mul3A_1458 : vector<16xf32>
      %get3A_1460 = arith.constant 544 : index
      %get3A_1461 = tpu.vector_load %arg10[%get3A_1460] {strides = array<i32>} : memref<1024xf32, #tpu.memory_space<vmem>>, vector<16xf32>,
      %get3A_1462 = vector.shape_cast %get3A_1461 : vector<16xf32> to vector<16xf32>
      %mul3A_1463 = arith.mulf %get3A_1462, %get3A_1462 : vector<16xf32>
      %add3A_1464 = arith.addf %add3A_1459, %mul3A_1463 : vector<16xf32>
      %get3A_1465 = arith.constant 560 : index
      %get3A_1466 = tpu.vector_load %arg10[%get3A_1465] {strides = array<i32>} : memref<1024xf32, #tpu.memory_space<vmem>>, vector<16xf32>,
      %get3A_1467 = vector.shape_cast %get3A_1466 : vector<16xf32> to vector<16xf32>
      %mul3A_1468 = arith.mulf %get3A_1467, %get3A_1467 : vector<16xf32>
      %add3A_1469 = arith.addf %add3A_1464, %mul3A_1468 : vector<16xf32>
      %swap3A_1470 = arith.constant 128 : index
      %swap3A_1471 = tpu.vector_load %arg11[%swap3A_1470] {strides = array<i32>} : memref<256xf32, #tpu.memory_space<vmem>>, vector<16xf32>,
      %swap3A_1472 = vector.shape_cast %swap3A_1471 : vector<16xf32> to vector<16xf32>
      %swap3A_1473 = vector.shape_cast %add3A_1469 : vector<16xf32> to vector<16xf32>
      tpu.vector_store %arg11[%swap3A_1470], %swap3A_1473 {strides = array<i32>} : memref<256xf32, #tpu.memory_space<vmem>>, vector<16xf32>,
      %broadcast_in_dim3A_1474 = arith.constant 0.000000e+00 : f32
      %broadcast_in_dim3A_1475 = vector.broadcast %broadcast_in_dim3A_1474 : f32 to vector<16xf32>
      %get3A_1476 = arith.constant 576 : index
      %get3A_1477 = tpu.vector_load %arg10[%get3A_1476] {strides = array<i32>} : memref<1024xf32, #tpu.memory_space<vmem>>, vector<16xf32>,
      %get3A_1478 = vector.shape_cast %get3A_1477 : vector<16xf32> to vector<16xf32>
      %mul3A_1479 = arith.mulf %get3A_1478, %get3A_1478 : vector<16xf32>
      %add3A_1480 = arith.addf %broadcast_in_dim3A_1475, %mul3A_1479 : vector<16xf32>
      %get3A_1481 = arith.constant 592 : index
      %get3A_1482 = tpu.vector_load %arg10[%get3A_1481] {strides = array<i32>} : memref<1024xf32, #tpu.memory_space<vmem>>, vector<16xf32>,
      %get3A_1483 = vector.shape_cast %get3A_1482 : vector<16xf32> to vector<16xf32>
      %mul3A_1484 = arith.mulf %get3A_1483, %get3A_1483 : vector<16xf32>
      %add3A_1485 = arith.addf %add3A_1480, %mul3A_1484 : vector<16xf32>
      %get3A_1486 = arith.constant 608 : index
      %get3A_1487 = tpu.vector_load %arg10[%get3A_1486] {strides = array<i32>} : memref<1024xf32, #tpu.memory_space<vmem>>, vector<16xf32>,
      %get3A_1488 = vector.shape_cast %get3A_1487 : vector<16xf32> to vector<16xf32>
      %mul3A_1489 = arith.mulf %get3A_1488, %get3A_1488 : vector<16xf32>
      %add3A_1490 = arith.addf %add3A_1485, %mul3A_1489 : vector<16xf32>
      %get3A_1491 = arith.constant 624 : index
      %get3A_1492 = tpu.vector_load %arg10[%get3A_1491] {strides = array<i32>} : memref<1024xf32, #tpu.memory_space<vmem>>, vector<16xf32>,
      %get3A_1493 = vector.shape_cast %get3A_1492 : vector<16xf32> to vector<16xf32>
      %mul3A_1494 = arith.mulf %get3A_1493, %get3A_1493 : vector<16xf32>
      %add3A_1495 = arith.addf %add3A_1490, %mul3A_1494 : vector<16xf32>
      %swap3A_1496 = arith.constant 144 : index
      %swap3A_1497 = tpu.vector_load %arg11[%swap3A_1496] {strides = array<i32>} : memref<256xf32, #tpu.memory_space<vmem>>, vector<16xf32>,
      %swap3A_1498 = vector.shape_cast %swap3A_1497 : vector<16xf32> to vector<16xf32>
      %swap3A_1499 = vector.shape_cast %add3A_1495 : vector<16xf32> to vector<16xf32>
      tpu.vector_store %arg11[%swap3A_1496], %swap3A_1499 {strides = array<i32>} : memref<256xf32, #tpu.memory_space<vmem>>, vector<16xf32>,
      %broadcast_in_dim3A_1500 = arith.constant 0.000000e+00 : f32
      %broadcast_in_dim3A_1501 = vector.broadcast %broadcast_in_dim3A_1500 : f32 to vector<16xf32>
      %get3A_1502 = arith.constant 640 : index
      %get3A_1503 = tpu.vector_load %arg10[%get3A_1502] {strides = array<i32>} : memref<1024xf32, #tpu.memory_space<vmem>>, vector<16xf32>,
      %get3A_1504 = vector.shape_cast %get3A_1503 : vector<16xf32> to vector<16xf32>
      %mul3A_1505 = arith.mulf %get3A_1504, %get3A_1504 : vector<16xf32>
      %add3A_1506 = arith.addf %broadcast_in_dim3A_1501, %mul3A_1505 : vector<16xf32>
      %get3A_1507 = arith.constant 656 : index
      %get3A_1508 = tpu.vector_load %arg10[%get3A_1507] {strides = array<i32>} : memref<1024xf32, #tpu.memory_space<vmem>>, vector<16xf32>,
      %get3A_1509 = vector.shape_cast %get3A_1508 : vector<16xf32> to vector<16xf32>
      %mul3A_1510 = arith.mulf %get3A_1509, %get3A_1509 : vector<16xf32>
      %add3A_1511 = arith.addf %add3A_1506, %mul3A_1510 : vector<16xf32>
      %get3A_1512 = arith.constant 672 : index
      %get3A_1513 = tpu.vector_load %arg10[%get3A_1512] {strides = array<i32>} : memref<1024xf32, #tpu.memory_space<vmem>>, vector<16xf32>,
      %get3A_1514 = vector.shape_cast %get3A_1513 : vector<16xf32> to vector<16xf32>
      %mul3A_1515 = arith.mulf %get3A_1514, %get3A_1514 : vector<16xf32>
      %add3A_1516 = arith.addf %add3A_1511, %mul3A_1515 : vector<16xf32>
      %get3A_1517 = arith.constant 688 : index
      %get3A_1518 = tpu.vector_load %arg10[%get3A_1517] {strides = array<i32>} : memref<1024xf32, #tpu.memory_space<vmem>>, vector<16xf32>,
      %get3A_1519 = vector.shape_cast %get3A_1518 : vector<16xf32> to vector<16xf32>
      %mul3A_1520 = arith.mulf %get3A_1519, %get3A_1519 : vector<16xf32>
      %add3A_1521 = arith.addf %add3A_1516, %mul3A_1520 : vector<16xf32>
      %swap3A_1522 = arith.constant 160 : index
      %swap3A_1523 = tpu.vector_load %arg11[%swap3A_1522] {strides = array<i32>} : memref<256xf32, #tpu.memory_space<vmem>>, vector<16xf32>,
      %swap3A_1524 = vector.shape_cast %swap3A_1523 : vector<16xf32> to vector<16xf32>
      %swap3A_1525 = vector.shape_cast %add3A_1521 : vector<16xf32> to vector<16xf32>
      tpu.vector_store %arg11[%swap3A_1522], %swap3A_1525 {strides = array<i32>} : memref<256xf32, #tpu.memory_space<vmem>>, vector<16xf32>,
      %broadcast_in_dim3A_1526 = arith.constant 0.000000e+00 : f32
      %broadcast_in_dim3A_1527 = vector.broadcast %broadcast_in_dim3A_1526 : f32 to vector<16xf32>
      %get3A_1528 = arith.constant 704 : index
      %get3A_1529 = tpu.vector_load %arg10[%get3A_1528] {strides = array<i32>} : memref<1024xf32, #tpu.memory_space<vmem>>, vector<16xf32>,
      %get3A_1530 = vector.shape_cast %get3A_1529 : vector<16xf32> to vector<16xf32>
      %mul3A_1531 = arith.mulf %get3A_1530, %get3A_1530 : vector<16xf32>
      %add3A_1532 = arith.addf %broadcast_in_dim3A_1527, %mul3A_1531 : vector<16xf32>
      %get3A_1533 = arith.constant 720 : index
      %get3A_1534 = tpu.vector_load %arg10[%get3A_1533] {strides = array<i32>} : memref<1024xf32, #tpu.memory_space<vmem>>, vector<16xf32>,
      %get3A_1535 = vector.shape_cast %get3A_1534 : vector<16xf32> to vector<16xf32>
      %mul3A_1536 = arith.mulf %get3A_1535, %get3A_1535 : vector<16xf32>
      %add3A_1537 = arith.addf %add3A_1532, %mul3A_1536 : vector<16xf32>
      %get3A_1538 = arith.constant 736 : index
      %get3A_1539 = tpu.vector_load %arg10[%get3A_1538] {strides = array<i32>} : memref<1024xf32, #tpu.memory_space<vmem>>, vector<16xf32>,
      %get3A_1540 = vector.shape_cast %get3A_1539 : vector<16xf32> to vector<16xf32>
      %mul3A_1541 = arith.mulf %get3A_1540, %get3A_1540 : vector<16xf32>
      %add3A_1542 = arith.addf %add3A_1537, %mul3A_1541 : vector<16xf32>
      %get3A_1543 = arith.constant 752 : index
      %get3A_1544 = tpu.vector_load %arg10[%get3A_1543] {strides = array<i32>} : memref<1024xf32, #tpu.memory_space<vmem>>, vector<16xf32>,
      %get3A_1545 = vector.shape_cast %get3A_1544 : vector<16xf32> to vector<16xf32>
      %mul3A_1546 = arith.mulf %get3A_1545, %get3A_1545 : vector<16xf32>
      %add3A_1547 = arith.addf %add3A_1542, %mul3A_1546 : vector<16xf32>
      %swap3A_1548 = arith.constant 176 : index
      %swap3A_1549 = tpu.vector_load %arg11[%swap3A_1548] {strides = array<i32>} : memref<256xf32, #tpu.memory_space<vmem>>, vector<16xf32>,
      %swap3A_1550 = vector.shape_cast %swap3A_1549 : vector<16xf32> to vector<16xf32>
      %swap3A_1551 = vector.shape_cast %add3A_1547 : vector<16xf32> to vector<16xf32>
      tpu.vector_store %arg11[%swap3A_1548], %swap3A_1551 {strides = array<i32>} : memref<256xf32, #tpu.memory_space<vmem>>, vector<16xf32>,
      %broadcast_in_dim3A_1552 = arith.constant 0.000000e+00 : f32
      %broadcast_in_dim3A_1553 = vector.broadcast %broadcast_in_dim3A_1552 : f32 to vector<16xf32>
      %get3A_1554 = arith.constant 768 : index
      %get3A_1555 = tpu.vector_load %arg10[%get3A_1554] {strides = array<i32>} : memref<1024xf32, #tpu.memory_space<vmem>>, vector<16xf32>,
      %get3A_1556 = vector.shape_cast %get3A_1555 : vector<16xf32> to vector<16xf32>
      %mul3A_1557 = arith.mulf %get3A_1556, %get3A_1556 : vector<16xf32>
      %add3A_1558 = arith.addf %broadcast_in_dim3A_1553, %mul3A_1557 : vector<16xf32>
      %get3A_1559 = arith.constant 784 : index
      %get3A_1560 = tpu.vector_load %arg10[%get3A_1559] {strides = array<i32>} : memref<1024xf32, #tpu.memory_space<vmem>>, vector<16xf32>,
      %get3A_1561 = vector.shape_cast %get3A_1560 : vector<16xf32> to vector<16xf32>
      %mul3A_1562 = arith.mulf %get3A_1561, %get3A_1561 : vector<16xf32>
      %add3A_1563 = arith.addf %add3A_1558, %mul3A_1562 : vector<16xf32>
      %get3A_1564 = arith.constant 800 : index
      %get3A_1565 = tpu.vector_load %arg10[%get3A_1564] {strides = array<i32>} : memref<1024xf32, #tpu.memory_space<vmem>>, vector<16xf32>,
      %get3A_1566 = vector.shape_cast %get3A_1565 : vector<16xf32> to vector<16xf32>
      %mul3A_1567 = arith.mulf %get3A_1566, %get3A_1566 : vector<16xf32>
      %add3A_1568 = arith.addf %add3A_1563, %mul3A_1567 : vector<16xf32>
      %get3A_1569 = arith.constant 816 : index
      %get3A_1570 = tpu.vector_load %arg10[%get3A_1569] {strides = array<i32>} : memref<1024xf32, #tpu.memory_space<vmem>>, vector<16xf32>,
      %get3A_1571 = vector.shape_cast %get3A_1570 : vector<16xf32> to vector<16xf32>
      %mul3A_1572 = arith.mulf %get3A_1571, %get3A_1571 : vector<16xf32>
      %add3A_1573 = arith.addf %add3A_1568, %mul3A_1572 : vector<16xf32>
      %swap3A_1574 = arith.constant 192 : index
      %swap3A_1575 = tpu.vector_load %arg11[%swap3A_1574] {strides = array<i32>} : memref<256xf32, #tpu.memory_space<vmem>>, vector<16xf32>,
      %swap3A_1576 = vector.shape_cast %swap3A_1575 : vector<16xf32> to vector<16xf32>
      %swap3A_1577 = vector.shape_cast %add3A_1573 : vector<16xf32> to vector<16xf32>
      tpu.vector_store %arg11[%swap3A_1574], %swap3A_1577 {strides = array<i32>} : memref<256xf32, #tpu.memory_space<vmem>>, vector<16xf32>,
      %broadcast_in_dim3A_1578 = arith.constant 0.000000e+00 : f32
      %broadcast_in_dim3A_1579 = vector.broadcast %broadcast_in_dim3A_1578 : f32 to vector<16xf32>
      %get3A_1580 = arith.constant 832 : index
      %get3A_1581 = tpu.vector_load %arg10[%get3A_1580] {strides = array<i32>} : memref<1024xf32, #tpu.memory_space<vmem>>, vector<16xf32>,
      %get3A_1582 = vector.shape_cast %get3A_1581 : vector<16xf32> to vector<16xf32>
      %mul3A_1583 = arith.mulf %get3A_1582, %get3A_1582 : vector<16xf32>
      %add3A_1584 = arith.addf %broadcast_in_dim3A_1579, %mul3A_1583 : vector<16xf32>
      %get3A_1585 = arith.constant 848 : index
      %get3A_1586 = tpu.vector_load %arg10[%get3A_1585] {strides = array<i32>} : memref<1024xf32, #tpu.memory_space<vmem>>, vector<16xf32>,
      %get3A_1587 = vector.shape_cast %get3A_1586 : vector<16xf32> to vector<16xf32>
      %mul3A_1588 = arith.mulf %get3A_1587, %get3A_1587 : vector<16xf32>
      %add3A_1589 = arith.addf %add3A_1584, %mul3A_1588 : vector<16xf32>
      %get3A_1590 = arith.constant 864 : index
      %get3A_1591 = tpu.vector_load %arg10[%get3A_1590] {strides = array<i32>} : memref<1024xf32, #tpu.memory_space<vmem>>, vector<16xf32>,
      %get3A_1592 = vector.shape_cast %get3A_1591 : vector<16xf32> to vector<16xf32>
      %mul3A_1593 = arith.mulf %get3A_1592, %get3A_1592 : vector<16xf32>
      %add3A_1594 = arith.addf %add3A_1589, %mul3A_1593 : vector<16xf32>
      %get3A_1595 = arith.constant 880 : index
      %get3A_1596 = tpu.vector_load %arg10[%get3A_1595] {strides = array<i32>} : memref<1024xf32, #tpu.memory_space<vmem>>, vector<16xf32>,
      %get3A_1597 = vector.shape_cast %get3A_1596 : vector<16xf32> to vector<16xf32>
      %mul3A_1598 = arith.mulf %get3A_1597, %get3A_1597 : vector<16xf32>
      %add3A_1599 = arith.addf %add3A_1594, %mul3A_1598 : vector<16xf32>
      %swap3A_1600 = arith.constant 208 : index
      %swap3A_1601 = tpu.vector_load %arg11[%swap3A_1600] {strides = array<i32>} : memref<256xf32, #tpu.memory_space<vmem>>, vector<16xf32>,
      %swap3A_1602 = vector.shape_cast %swap3A_1601 : vector<16xf32> to vector<16xf32>
      %swap3A_1603 = vector.shape_cast %add3A_1599 : vector<16xf32> to vector<16xf32>
      tpu.vector_store %arg11[%swap3A_1600], %swap3A_1603 {strides = array<i32>} : memref<256xf32, #tpu.memory_space<vmem>>, vector<16xf32>,
      %broadcast_in_dim3A_1604 = arith.constant 0.000000e+00 : f32
      %broadcast_in_dim3A_1605 = vector.broadcast %broadcast_in_dim3A_1604 : f32 to vector<16xf32>
      %get3A_1606 = arith.constant 896 : index
      %get3A_1607 = tpu.vector_load %arg10[%get3A_1606] {strides = array<i32>} : memref<1024xf32, #tpu.memory_space<vmem>>, vector<16xf32>,
      %get3A_1608 = vector.shape_cast %get3A_1607 : vector<16xf32> to vector<16xf32>
      %mul3A_1609 = arith.mulf %get3A_1608, %get3A_1608 : vector<16xf32>
      %add3A_1610 = arith.addf %broadcast_in_dim3A_1605, %mul3A_1609 : vector<16xf32>
      %get3A_1611 = arith.constant 912 : index
      %get3A_1612 = tpu.vector_load %arg10[%get3A_1611] {strides = array<i32>} : memref<1024xf32, #tpu.memory_space<vmem>>, vector<16xf32>,
      %get3A_1613 = vector.shape_cast %get3A_1612 : vector<16xf32> to vector<16xf32>
      %mul3A_1614 = arith.mulf %get3A_1613, %get3A_1613 : vector<16xf32>
      %add3A_1615 = arith.addf %add3A_1610, %mul3A_1614 : vector<16xf32>
      %get3A_1616 = arith.constant 928 : index
      %get3A_1617 = tpu.vector_load %arg10[%get3A_1616] {strides = array<i32>} : memref<1024xf32, #tpu.memory_space<vmem>>, vector<16xf32>,
      %get3A_1618 = vector.shape_cast %get3A_1617 : vector<16xf32> to vector<16xf32>
      %mul3A_1619 = arith.mulf %get3A_1618, %get3A_1618 : vector<16xf32>
      %add3A_1620 = arith.addf %add3A_1615, %mul3A_1619 : vector<16xf32>
      %get3A_1621 = arith.constant 944 : index
      %get3A_1622 = tpu.vector_load %arg10[%get3A_1621] {strides = array<i32>} : memref<1024xf32, #tpu.memory_space<vmem>>, vector<16xf32>,
      %get3A_1623 = vector.shape_cast %get3A_1622 : vector<16xf32> to vector<16xf32>
      %mul3A_1624 = arith.mulf %get3A_1623, %get3A_1623 : vector<16xf32>
      %add3A_1625 = arith.addf %add3A_1620, %mul3A_1624 : vector<16xf32>
      %swap3A_1626 = arith.constant 224 : index
      %swap3A_1627 = tpu.vector_load %arg11[%swap3A_1626] {strides = array<i32>} : memref<256xf32, #tpu.memory_space<vmem>>, vector<16xf32>,
      %swap3A_1628 = vector.shape_cast %swap3A_1627 : vector<16xf32> to vector<16xf32>
      %swap3A_1629 = vector.shape_cast %add3A_1625 : vector<16xf32> to vector<16xf32>
      tpu.vector_store %arg11[%swap3A_1626], %swap3A_1629 {strides = array<i32>} : memref<256xf32, #tpu.memory_space<vmem>>, vector<16xf32>,
      %broadcast_in_dim3A_1630 = arith.constant 0.000000e+00 : f32
      %broadcast_in_dim3A_1631 = vector.broadcast %broadcast_in_dim3A_1630 : f32 to vector<16xf32>
      %get3A_1632 = arith.constant 960 : index
      %get3A_1633 = tpu.vector_load %arg10[%get3A_1632] {strides = array<i32>} : memref<1024xf32, #tpu.memory_space<vmem>>, vector<16xf32>,
      %get3A_1634 = vector.shape_cast %get3A_1633 : vector<16xf32> to vector<16xf32>
      %mul3A_1635 = arith.mulf %get3A_1634, %get3A_1634 : vector<16xf32>
      %add3A_1636 = arith.addf %broadcast_in_dim3A_1631, %mul3A_1635 : vector<16xf32>
      %get3A_1637 = arith.constant 976 : index
      %get3A_1638 = tpu.vector_load %arg10[%get3A_1637] {strides = array<i32>} : memref<1024xf32, #tpu.memory_space<vmem>>, vector<16xf32>,
      %get3A_1639 = vector.shape_cast %get3A_1638 : vector<16xf32> to vector<16xf32>
      %mul3A_1640 = arith.mulf %get3A_1639, %get3A_1639 : vector<16xf32>
      %add3A_1641 = arith.addf %add3A_1636, %mul3A_1640 : vector<16xf32>
      %get3A_1642 = arith.constant 992 : index
      %get3A_1643 = tpu.vector_load %arg10[%get3A_1642] {strides = array<i32>} : memref<1024xf32, #tpu.memory_space<vmem>>, vector<16xf32>,
      %get3A_1644 = vector.shape_cast %get3A_1643 : vector<16xf32> to vector<16xf32>
      %mul3A_1645 = arith.mulf %get3A_1644, %get3A_1644 : vector<16xf32>
      %add3A_1646 = arith.addf %add3A_1641, %mul3A_1645 : vector<16xf32>
      %get3A_1647 = arith.constant 1008 : index
      %get3A_1648 = tpu.vector_load %arg10[%get3A_1647] {strides = array<i32>} : memref<1024xf32, #tpu.memory_space<vmem>>, vector<16xf32>,
      %get3A_1649 = vector.shape_cast %get3A_1648 : vector<16xf32> to vector<16xf32>
      %mul3A_1650 = arith.mulf %get3A_1649, %get3A_1649 : vector<16xf32>
      %add3A_1651 = arith.addf %add3A_1646, %mul3A_1650 : vector<16xf32>
      %swap3A_1652 = arith.constant 240 : index
      %swap3A_1653 = tpu.vector_load %arg11[%swap3A_1652] {strides = array<i32>} : memref<256xf32, #tpu.memory_space<vmem>>, vector<16xf32>,
      %swap3A_1654 = vector.shape_cast %swap3A_1653 : vector<16xf32> to vector<16xf32>
      %swap3A_1655 = vector.shape_cast %add3A_1651 : vector<16xf32> to vector<16xf32>
      tpu.vector_store %arg11[%swap3A_1652], %swap3A_1655 {strides = array<i32>} : memref<256xf32, #tpu.memory_space<vmem>>, vector<16xf32>,
      %dma_start3A_1656 = arith.constant 0 : i32
      %dma_start3A_1657 = arith.constant 0 : i32
      %dma_start3A_1658 = tpu.memref_slice %arg11[%dma_start3A_1657] : memref<256xf32, #tpu.memory_space<vmem>> -> memref<128xf32, #tpu.memory_space<vmem>>
      %dma_start3A_1659 = arith.constant 0 : i32
      %dma_start3A_1660 = tpu.memref_slice %arg9[%dma_start3A_1656, %dma_start3A_1659] : memref<2x128xi32, #tpu.memory_space<vmem>> -> memref<1x128xi32, #tpu.memory_space<vmem>>
      %dma_start3A_1661 = tpu.memref_squeeze %dma_start3A_1660 : memref<1x128xi32, #tpu.memory_space<vmem>> -> memref<128xi32, #tpu.memory_space<vmem>>
      %dma_start3A_1662 = arith.constant 0 : i32
      %dma_start3A_1663 = tpu.memref_slice %arg14[%dma_start3A_1662] : memref<6144xf32, #tpu.memory_space<vmem_shared>> -> memref<6144xf32, #tpu.memory_space<vmem_shared>>
      tpu.enqueue_indirect_dma source(%dma_start3A_1658 : memref<128xf32, #tpu.memory_space<vmem>>) target(%dma_start3A_1663 : memref<6144xf32, #tpu.memory_space<vmem_shared>>) offsets(%dma_start3A_1661 : memref<128xi32, #tpu.memory_space<vmem>>) semaphore(%arg15 : memref<!tpu.dma_semaphore, #tpu.memory_space<semaphore_mem>>)
      %dma_start3A_1664 = arith.constant 1 : i32
      %dma_start3A_1665 = arith.constant 128 : i32
      %dma_start3A_1666 = tpu.memref_slice %arg11[%dma_start3A_1665] : memref<256xf32, #tpu.memory_space<vmem>> -> memref<128xf32, #tpu.memory_space<vmem>>
      %dma_start3A_1667 = arith.constant 0 : i32
      %dma_start3A_1668 = tpu.memref_slice %arg9[%dma_start3A_1664, %dma_start3A_1667] : memref<2x128xi32, #tpu.memory_space<vmem>> -> memref<1x128xi32, #tpu.memory_space<vmem>>
      %dma_start3A_1669 = tpu.memref_squeeze %dma_start3A_1668 : memref<1x128xi32, #tpu.memory_space<vmem>> -> memref<128xi32, #tpu.memory_space<vmem>>
      %dma_start3A_1670 = arith.constant 0 : i32
      %dma_start3A_1671 = tpu.memref_slice %arg14[%dma_start3A_1670] : memref<6144xf32, #tpu.memory_space<vmem_shared>> -> memref<6144xf32, #tpu.memory_space<vmem_shared>>
      tpu.enqueue_indirect_dma source(%dma_start3A_1666 : memref<128xf32, #tpu.memory_space<vmem>>) target(%dma_start3A_1671 : memref<6144xf32, #tpu.memory_space<vmem_shared>>) offsets(%dma_start3A_1669 : memref<128xi32, #tpu.memory_space<vmem>>) semaphore(%arg15 : memref<!tpu.dma_semaphore, #tpu.memory_space<semaphore_mem>>)
      %dma_wait3A_1672 = arith.constant 0 : i32
      %dma_wait3A_1673 = arith.constant 0 : i32
      %dma_wait3A_1674 = tpu.memref_slice %arg11[%dma_wait3A_1673] : memref<256xf32, #tpu.memory_space<vmem>> -> memref<128xf32, #tpu.memory_space<vmem>>
      %dma_wait3A_1675 = arith.constant 0 : i32
      %dma_wait3A_1676 = tpu.memref_slice %arg9[%dma_wait3A_1672, %dma_wait3A_1675] : memref<2x128xi32, #tpu.memory_space<vmem>> -> memref<1x128xi32, #tpu.memory_space<vmem>>
      %dma_wait3A_1677 = tpu.memref_squeeze %dma_wait3A_1676 : memref<1x128xi32, #tpu.memory_space<vmem>> -> memref<128xi32, #tpu.memory_space<vmem>>
      %dma_wait3A_1678 = arith.constant 0 : i32
      %dma_wait3A_1679 = tpu.memref_slice %arg14[%dma_wait3A_1678] : memref<6144xf32, #tpu.memory_space<vmem_shared>> -> memref<6144xf32, #tpu.memory_space<vmem_shared>>
      tpu.wait_indirect_dma semaphore(%arg15 : memref<!tpu.dma_semaphore, #tpu.memory_space<semaphore_mem>>) src(%dma_wait3A_1674 : memref<128xf32, #tpu.memory_space<vmem>>) dst(%dma_wait3A_1679 : memref<6144xf32, #tpu.memory_space<vmem_shared>>)
      %dma_wait3A_1680 = arith.constant 1 : i32
      %dma_wait3A_1681 = arith.constant 128 : i32
      %dma_wait3A_1682 = tpu.memref_slice %arg11[%dma_wait3A_1681] : memref<256xf32, #tpu.memory_space<vmem>> -> memref<128xf32, #tpu.memory_space<vmem>>
      %dma_wait3A_1683 = arith.constant 0 : i32
      %dma_wait3A_1684 = tpu.memref_slice %arg9[%dma_wait3A_1680, %dma_wait3A_1683] : memref<2x128xi32, #tpu.memory_space<vmem>> -> memref<1x128xi32, #tpu.memory_space<vmem>>
      %dma_wait3A_1685 = tpu.memref_squeeze %dma_wait3A_1684 : memref<1x128xi32, #tpu.memory_space<vmem>> -> memref<128xi32, #tpu.memory_space<vmem>>
      %dma_wait3A_1686 = arith.constant 0 : i32
      %dma_wait3A_1687 = tpu.memref_slice %arg14[%dma_wait3A_1686] : memref<6144xf32, #tpu.memory_space<vmem_shared>> -> memref<6144xf32, #tpu.memory_space<vmem_shared>>
      tpu.wait_indirect_dma semaphore(%arg15 : memref<!tpu.dma_semaphore, #tpu.memory_space<semaphore_mem>>) src(%dma_wait3A_1682 : memref<128xf32, #tpu.memory_space<vmem>>) dst(%dma_wait3A_1687 : memref<6144xf32, #tpu.memory_space<vmem_shared>>)
      "tpu.region"() ({
        %run_scoped3A = tpu.sem_alloc : memref<!tpu.dma_semaphore, #tpu.memory_space<semaphore_mem>>
        %dma_start3A_1792 = tpu.memref_slice %arg14[%mul3A_4] : memref<6144xf32, #tpu.memory_space<vmem_shared>> -> memref<256xf32, #tpu.memory_space<vmem_shared>>
        %dma_start3A_1793 = tpu.memref_slice %arg14[%mul3A_4] : memref<6144xf32, #tpu.memory_space<vmem_shared>> -> memref<256xf32, #tpu.memory_space<vmem_shared>>
        tpu.enqueue_dma source(%dma_start3A_1793 : memref<256xf32, #tpu.memory_space<vmem_shared>>) target(%arg12 : memref<256xf32, #tpu.memory_space<vmem>>) target_semaphore(%run_scoped3A : memref<!tpu.dma_semaphore, #tpu.memory_space<semaphore_mem>>)
        %dma_wait3A_1794 = tpu.memref_slice %arg14[%mul3A_4] : memref<6144xf32, #tpu.memory_space<vmem_shared>> -> memref<256xf32, #tpu.memory_space<vmem_shared>>
        %dma_wait3A_1795 = tpu.memref_slice %arg14[%mul3A_4] : memref<6144xf32, #tpu.memory_space<vmem_shared>> -> memref<256xf32, #tpu.memory_space<vmem_shared>>
        tpu.wait_dma2 semaphore(%run_scoped3A : memref<!tpu.dma_semaphore, #tpu.memory_space<semaphore_mem>>) src(%dma_wait3A_1795 : memref<256xf32, #tpu.memory_space<vmem_shared>>) dst(%arg12 : memref<256xf32, #tpu.memory_space<vmem>>)
        tpu.yield
      }) : () -> ()
      %broadcast_in_dim3A_1688 = arith.constant 0.000000e+00 : f32
      %broadcast_in_dim3A_1689 = vector.broadcast %broadcast_in_dim3A_1688 : f32 to vector<16xf32>
      %get3A_1690 = arith.constant 0 : index
      %get3A_1691 = tpu.vector_load %arg12[%get3A_1690] {strides = array<i32>} : memref<256xf32, #tpu.memory_space<vmem>>, vector<16xf32>,
      %get3A_1692 = vector.shape_cast %get3A_1691 : vector<16xf32> to vector<16xf32>
      %add3A_1693 = arith.addf %broadcast_in_dim3A_1689, %get3A_1692 : vector<16xf32>
      %get3A_1694 = arith.constant 16 : index
      %get3A_1695 = tpu.vector_load %arg12[%get3A_1694] {strides = array<i32>} : memref<256xf32, #tpu.memory_space<vmem>>, vector<16xf32>,
      %get3A_1696 = vector.shape_cast %get3A_1695 : vector<16xf32> to vector<16xf32>
      %add3A_1697 = arith.addf %add3A_1693, %get3A_1696 : vector<16xf32>
      %get3A_1698 = arith.constant 32 : index
      %get3A_1699 = tpu.vector_load %arg12[%get3A_1698] {strides = array<i32>} : memref<256xf32, #tpu.memory_space<vmem>>, vector<16xf32>,
      %get3A_1700 = vector.shape_cast %get3A_1699 : vector<16xf32> to vector<16xf32>
      %add3A_1701 = arith.addf %add3A_1697, %get3A_1700 : vector<16xf32>
      %get3A_1702 = arith.constant 48 : index
      %get3A_1703 = tpu.vector_load %arg12[%get3A_1702] {strides = array<i32>} : memref<256xf32, #tpu.memory_space<vmem>>, vector<16xf32>,
      %get3A_1704 = vector.shape_cast %get3A_1703 : vector<16xf32> to vector<16xf32>
      %add3A_1705 = arith.addf %add3A_1701, %get3A_1704 : vector<16xf32>
      %get3A_1706 = arith.constant 64 : index
      %get3A_1707 = tpu.vector_load %arg12[%get3A_1706] {strides = array<i32>} : memref<256xf32, #tpu.memory_space<vmem>>, vector<16xf32>,
      %get3A_1708 = vector.shape_cast %get3A_1707 : vector<16xf32> to vector<16xf32>
      %add3A_1709 = arith.addf %add3A_1705, %get3A_1708 : vector<16xf32>
      %get3A_1710 = arith.constant 80 : index
      %get3A_1711 = tpu.vector_load %arg12[%get3A_1710] {strides = array<i32>} : memref<256xf32, #tpu.memory_space<vmem>>, vector<16xf32>,
      %get3A_1712 = vector.shape_cast %get3A_1711 : vector<16xf32> to vector<16xf32>
      %add3A_1713 = arith.addf %add3A_1709, %get3A_1712 : vector<16xf32>
      %get3A_1714 = arith.constant 96 : index
      %get3A_1715 = tpu.vector_load %arg12[%get3A_1714] {strides = array<i32>} : memref<256xf32, #tpu.memory_space<vmem>>, vector<16xf32>,
      %get3A_1716 = vector.shape_cast %get3A_1715 : vector<16xf32> to vector<16xf32>
      %add3A_1717 = arith.addf %add3A_1713, %get3A_1716 : vector<16xf32>
      %get3A_1718 = arith.constant 112 : index
      %get3A_1719 = tpu.vector_load %arg12[%get3A_1718] {strides = array<i32>} : memref<256xf32, #tpu.memory_space<vmem>>, vector<16xf32>,
      %get3A_1720 = vector.shape_cast %get3A_1719 : vector<16xf32> to vector<16xf32>
      %add3A_1721 = arith.addf %add3A_1717, %get3A_1720 : vector<16xf32>
      %get3A_1722 = arith.constant 128 : index
      %get3A_1723 = tpu.vector_load %arg12[%get3A_1722] {strides = array<i32>} : memref<256xf32, #tpu.memory_space<vmem>>, vector<16xf32>,
      %get3A_1724 = vector.shape_cast %get3A_1723 : vector<16xf32> to vector<16xf32>
      %add3A_1725 = arith.addf %add3A_1721, %get3A_1724 : vector<16xf32>
      %get3A_1726 = arith.constant 144 : index
      %get3A_1727 = tpu.vector_load %arg12[%get3A_1726] {strides = array<i32>} : memref<256xf32, #tpu.memory_space<vmem>>, vector<16xf32>,
      %get3A_1728 = vector.shape_cast %get3A_1727 : vector<16xf32> to vector<16xf32>
      %add3A_1729 = arith.addf %add3A_1725, %get3A_1728 : vector<16xf32>
      %get3A_1730 = arith.constant 160 : index
      %get3A_1731 = tpu.vector_load %arg12[%get3A_1730] {strides = array<i32>} : memref<256xf32, #tpu.memory_space<vmem>>, vector<16xf32>,
      %get3A_1732 = vector.shape_cast %get3A_1731 : vector<16xf32> to vector<16xf32>
      %add3A_1733 = arith.addf %add3A_1729, %get3A_1732 : vector<16xf32>
      %get3A_1734 = arith.constant 176 : index
      %get3A_1735 = tpu.vector_load %arg12[%get3A_1734] {strides = array<i32>} : memref<256xf32, #tpu.memory_space<vmem>>, vector<16xf32>,
      %get3A_1736 = vector.shape_cast %get3A_1735 : vector<16xf32> to vector<16xf32>
      %add3A_1737 = arith.addf %add3A_1733, %get3A_1736 : vector<16xf32>
      %get3A_1738 = arith.constant 192 : index
      %get3A_1739 = tpu.vector_load %arg12[%get3A_1738] {strides = array<i32>} : memref<256xf32, #tpu.memory_space<vmem>>, vector<16xf32>,
      %get3A_1740 = vector.shape_cast %get3A_1739 : vector<16xf32> to vector<16xf32>
      %add3A_1741 = arith.addf %add3A_1737, %get3A_1740 : vector<16xf32>
      %get3A_1742 = arith.constant 208 : index
      %get3A_1743 = tpu.vector_load %arg12[%get3A_1742] {strides = array<i32>} : memref<256xf32, #tpu.memory_space<vmem>>, vector<16xf32>,
      %get3A_1744 = vector.shape_cast %get3A_1743 : vector<16xf32> to vector<16xf32>
      %add3A_1745 = arith.addf %add3A_1741, %get3A_1744 : vector<16xf32>
      %get3A_1746 = arith.constant 224 : index
      %get3A_1747 = tpu.vector_load %arg12[%get3A_1746] {strides = array<i32>} : memref<256xf32, #tpu.memory_space<vmem>>, vector<16xf32>,
      %get3A_1748 = vector.shape_cast %get3A_1747 : vector<16xf32> to vector<16xf32>
      %add3A_1749 = arith.addf %add3A_1745, %get3A_1748 : vector<16xf32>
      %get3A_1750 = arith.constant 240 : index
      %get3A_1751 = tpu.vector_load %arg12[%get3A_1750] {strides = array<i32>} : memref<256xf32, #tpu.memory_space<vmem>>, vector<16xf32>,
      %get3A_1752 = vector.shape_cast %get3A_1751 : vector<16xf32> to vector<16xf32>
      %add3A_1753 = arith.addf %add3A_1749, %get3A_1752 : vector<16xf32>
      %swap3A_1754 = arith.constant 0 : index
      %swap3A_1755 = tpu.vector_load %arg13[%swap3A_1754] {strides = array<i32>} : memref<16xf32, #tpu.memory_space<vmem>>, vector<16xf32>,
      %swap3A_1756 = vector.shape_cast %swap3A_1755 : vector<16xf32> to vector<16xf32>
      %swap3A_1757 = vector.shape_cast %add3A_1753 : vector<16xf32> to vector<16xf32>
      tpu.vector_store %arg13[%swap3A_1754], %swap3A_1757 {strides = array<i32>} : memref<16xf32, #tpu.memory_space<vmem>>, vector<16xf32>,
      %jit3A = arith.constant 6 : i32
      %div3A = arith.divsi %add3A, %jit3A : i32
      %sign3A = arith.constant 0 : i32
      %sign3A_1758 = arith.cmpi sgt, %add3A, %sign3A : i32
      %sign3A_1759 = arith.extui %sign3A_1758 : i1 to i32
      %sign3A_1760 = arith.constant 0 : i32
      %sign3A_1761 = arith.cmpi slt, %add3A, %sign3A_1760 : i32
      %sign3A_1762 = arith.extui %sign3A_1761 : i1 to i32
      %sign3A_1763 = arith.subi %sign3A_1759, %sign3A_1762 : i32
      %sign3A_1764 = arith.constant 0 : i32
      %sign3A_1765 = arith.cmpi sgt, %jit3A, %sign3A_1764 : i32
      %sign3A_1766 = arith.extui %sign3A_1765 : i1 to i32
      %sign3A_1767 = arith.constant 0 : i32
      %sign3A_1768 = arith.cmpi slt, %jit3A, %sign3A_1767 : i32
      %sign3A_1769 = arith.extui %sign3A_1768 : i1 to i32
      %sign3A_1770 = arith.subi %sign3A_1766, %sign3A_1769 : i32
      %ne3A = arith.cmpi ne, %sign3A_1763, %sign3A_1770 : i32
      %rem3A = arith.remsi %add3A, %jit3A : i32
      %ne3A_1771 = arith.constant 0 : i32
      %ne3A_1772 = arith.cmpi ne, %rem3A, %ne3A_1771 : i32
      %and3A_1773 = arith.andi %ne3A, %ne3A_1772 : i1
      %sub3A = arith.constant 1 : i32
      %sub3A_1774 = arith.subi %div3A, %sub3A : i32
      %select_n3A = arith.select %and3A_1773, %sub3A_1774, %div3A : i32
      %jit3A_1775 = arith.constant 6 : i32
      %eq3A = arith.constant 0 : i32
      %eq3A_1776 = arith.cmpi eq, %jit3A_1775, %eq3A : i32
      %jit3A_1777 = arith.constant 1 : i32
      %select_n3A_1778 = arith.select %eq3A_1776, %jit3A_1777, %jit3A_1775 : i32
      %rem3A_1779 = arith.remsi %add3A, %select_n3A_1778 : i32
      %ne3A_1780 = arith.constant 0 : i32
      %ne3A_1781 = arith.cmpi ne, %rem3A_1779, %ne3A_1780 : i32
      %lt3A_1782 = arith.constant 0 : i32
      %lt3A_1783 = arith.cmpi slt, %rem3A_1779, %lt3A_1782 : i32
      %lt3A_1784 = arith.constant 0 : i32
      %lt3A_1785 = arith.cmpi slt, %select_n3A_1778, %lt3A_1784 : i32
      %ne3A_1786 = arith.xori %lt3A_1783, %lt3A_1785 : i1
      %and3A_1787 = arith.andi %ne3A_1786, %ne3A_1781 : i1
      %add3A_1788 = arith.addi %rem3A_1779, %select_n3A_1778 : i32
      %select_n3A_1789 = arith.select %and3A_1787, %add3A_1788, %rem3A_1779 : i32
      %mul3A_1790 = arith.constant 16 : i32
      %mul3A_1791 = arith.muli %select_n3A_1789, %mul3A_1790 : i32
      "tpu.region"() ({
        %run_scoped3A = tpu.sem_alloc : memref<!tpu.dma_semaphore, #tpu.memory_space<semaphore_mem>>
        %dma_start3A_1792 = tpu.memref_slice %arg5[%select_n3A, %mul3A_1791] : memref<4x96xf32, #tpu.memory_space<hbm>> -> memref<1x16xf32, #tpu.memory_space<hbm>>
        %dma_start3A_1793 = tpu.memref_squeeze %dma_start3A_1792 : memref<1x16xf32, #tpu.memory_space<hbm>> -> memref<16xf32, #tpu.memory_space<hbm>>
        %dma_start3A_1794 = tpu.memref_slice %arg5[%select_n3A, %mul3A_1791] : memref<4x96xf32, #tpu.memory_space<hbm>> -> memref<1x16xf32, #tpu.memory_space<hbm>>
        %dma_start3A_1795 = tpu.memref_squeeze %dma_start3A_1794 : memref<1x16xf32, #tpu.memory_space<hbm>> -> memref<16xf32, #tpu.memory_space<hbm>>
        tpu.enqueue_dma source(%arg13 : memref<16xf32, #tpu.memory_space<vmem>>) target(%dma_start3A_1795 : memref<16xf32, #tpu.memory_space<hbm>>) target_semaphore(%run_scoped3A : memref<!tpu.dma_semaphore, #tpu.memory_space<semaphore_mem>>)
        %dma_wait3A_1796 = tpu.memref_slice %arg5[%select_n3A, %mul3A_1791] : memref<4x96xf32, #tpu.memory_space<hbm>> -> memref<1x16xf32, #tpu.memory_space<hbm>>
        %dma_wait3A_1797 = tpu.memref_squeeze %dma_wait3A_1796 : memref<1x16xf32, #tpu.memory_space<hbm>> -> memref<16xf32, #tpu.memory_space<hbm>>
        %dma_wait3A_1798 = tpu.memref_slice %arg5[%select_n3A, %mul3A_1791] : memref<4x96xf32, #tpu.memory_space<hbm>> -> memref<1x16xf32, #tpu.memory_space<hbm>>
        %dma_wait3A_1799 = tpu.memref_squeeze %dma_wait3A_1798 : memref<1x16xf32, #tpu.memory_space<hbm>> -> memref<16xf32, #tpu.memory_space<hbm>>
        tpu.wait_dma2 semaphore(%run_scoped3A : memref<!tpu.dma_semaphore, #tpu.memory_space<semaphore_mem>>) src(%arg13 : memref<16xf32, #tpu.memory_space<vmem>>) dst(%dma_wait3A_1799 : memref<16xf32, #tpu.memory_space<hbm>>)
        tpu.yield
      }) : () -> ()
    } else {
    }
    return
  }
}

</mosaic_0001>

<sc_bundles>
// kernel: kernel.3.cloned.1.call-start
scs
__scs_entry_jumppad:
0x0: {  	(pc) =	sbr.rel $0x88, $3  }
0x1: {  	(tag) =	ssettag $0x0;
	lr =	simm.s32 $0x1  }
0x2: {  	[smem:$0x3F9E] =	sst lr;
	_ =	strace $0xD0000000  }
0x3: {  	_ = 	snop  }
0x4: {  	_ = 	snop  }
0x5: {  	_ = 	snop  }
0x6: {  	_ = 	snop  }
0x7: {  	_ = 	snop  }
__scs_overlays_trampoline_lowered:
0x8: {  	[smem:$0x3FAD] =	sst s0  }
0x9: {  	[smem:$0x3FAE] =	sst s1  }
0xa: {  	[smem:$0x3FAF] =	sst s2  }
0xb: {  	[smem:$0x3FB0] =	sst s3  }
0xc: {  	[smem:$0x3FB1] =	sst s4  }
0xd: {  	[smem:$0x3FB2] =	sst s5  }
0xe: {  	[smem:$0x3FB3] =	sst s6  }
0xf: {  	[smem:$0x3FB4] =	sst s7  }
0x10: {  	[smem:$0x3FB5] =	sst s8  }
0x11: {  	[smem:$0x3FB6] =	sst s9;
	s0 =	simm.s32 @!p0 $0x0  }
0x12: {  	s1 =	sld [smem:$0x3F9C];
	s0 =	simm.s32 @p0 $0x1  }
0x13: {  	[smem:$0x3FB7] =	sst s0;
	s0 =	simm.s32 @!p1 $0x0  }
0x14: {  	s2 =	sld [smem:$0x3F9B];
	s0 =	simm.s32 @p1 $0x1  }
0x15: {  	[smem:$0x3FB8] =	sst s0;
	s0 =	simm.s32 @!p2 $0x0  }
0x16: {  	s3 =	sld [smem:$0x3FDB];
	s0 =	simm.s32 @p2 $0x1  }
0x17: {  	s4 =	simm.s32 $0x1BF5;
	[smem:$0x3FBA] =	sst s0  }
0x18: {  	s0 =	sld [smem:$0x3F9D];
	_ =	swait.ge [sflag:s4], $0x0  }
0x19: {  	s7 =	sld [smem:$0x3F9E]  }
0x1a: {  	s8 =	sadd.s32 $0xFFFFE003, lr  }
0x1b: {  	s9 =	sadd.s32 $0xFFFFFEF7, lr;
	s5 =	simm.s32 $0xFFFFFFFF;
	p2 =	slt.u32 s8, $0xFFFFF086  }
0x1c: {  	p1 =	slt.u32 s9, $0xF7A;
	s5 =	simm.s32 @!p2 $0x0  }
0x1d: {  	s5 =	simm.s32 @p1 $0x1;
	p0 =	seq.s32 s7, s2  }
0x1e: {  	s7 =	smul.u32 @!p0 $0xF7A, s2;
	p2 =	seq.s32 @!p0 s5, $0x0  }
0x1f: {  	s9 =	smul.u32 $0xF7A, s1;
	s8 =	simm.s32 @!p0 $0x1BF5;
	p2 =	por !p2, p0  }
0x20: {  	[sflag:s8] =	ssyncset.s32 @!p0 $0xFFFFF086;
	s6 =	sadd.s32 @!p0 s3, s7;
	s7 =	simm.s32 @!p0 $0x108  }
0x21: {  	s3 =	sadd.s32 s3, s9;
	s6 =	sadd.s32 @!p0 $0x88, s6;
	s7 =	simm.s32 @p2 $0x1082  }
0x22: {  	[simem:s7], [sflag:s8] =	dma.local @!p0 [hbm:s6], $0xF7A  }
0x23: {  	s9 =	sor.u32 $0xD0000000, s2;
	s6 =	simm.s32 $0x108;
	_ =	swait.ge @!p0 [sflag:s8], $0x0  }
0x24: {  	s3 =	sadd.s32 $0x88, s3;
	s6 =	simm.s32 @!p1 $0x1082;
	[sflag:s4] =	ssyncset.s32 $0xFFFFF086  }
0x25: {  	[simem:s6], [sflag:s4] =	dma.local [hbm:s3], $0xF7A  }
0x26: {  	[smem:$0x3F9E] =	sst s1;
	(tag) =	ssettag s2;
	_ =	strace s9  }
0x27: {  	s1 =	sld [smem:$0x3FAE]  }
0x28: {  	s2 =	sld [smem:$0x3FAF]  }
0x29: {  	s4 =	sld [smem:$0x3FB1]  }
0x2a: {  	p0 =	seq.s32 s5, $0x0;
	s5 =	sld [smem:$0x3FB2]  }
0x2b: {  	s6 =	sld [smem:$0x3FB3]  }
0x2c: {  	s7 =	sld [smem:$0x3FB4]  }
0x2d: {  	s3 =	simm.s32 $0x108;
	s8 =	sld [smem:$0x3FB5]  }
0x2e: {  	s3 =	simm.s32 @!p0 $0x1082;
	s9 =	sld [smem:$0x3FB6]  }
0x2f: {  	lr =	sadd.s32 s0, s3;
	s0 =	sld [smem:$0x3FAD]  }
0x30: {  	s3 =	sld [smem:$0x3FB0]  }
0x31: {  	[smem:$0x3FB9] =	sst s10  }
0x32: {  	s10 =	sld [smem:$0x3FB7];
	_ =	sdelay $0x3  }
0x33: {  	p0 =	seq.s32 s10, $0x1;
	s10 =	sld [smem:$0x3FB9];
	_ =	sdelay $0x3  }
0x34: {  	[smem:$0x3FB9] =	sst s10  }
0x35: {  	s10 =	sld [smem:$0x3FB8];
	_ =	sdelay $0x3  }
0x36: {  	p1 =	seq.s32 s10, $0x1;
	s10 =	sld [smem:$0x3FB9];
	_ =	sdelay $0x3  }
0x37: {  	[smem:$0x3FB9] =	sst s10  }
0x38: {  	s10 =	sld [smem:$0x3FBA]  }
0x39: {  	_ = 	snop;
	(pc) =	sbr.ind lr, $3  }
0x3a: {  	_ = 	snop  }
0x3b: {  	_ = 	snop  }
0x3c: {  	p2 =	seq.s32 s10, $0x1;
	s10 =	sld [smem:$0x3FB9]  }
0x3d: {  	_ =	shalt  }
0x3e: {  	_ =	shalt  }
0x3f: {  	_ =	shalt  }
0x40: {  	_ =	shalt  }
0x41: {  	_ =	shalt  }
0x42: {  	_ =	shalt  }
0x43: {  	_ =	shalt  }
0x44: {  	_ =	shalt  }
0x45: {  	_ =	shalt  }
0x46: {  	_ =	shalt  }
0x47: {  	_ =	shalt  }
0x48: {  	_ =	shalt  }
0x49: {  	_ =	shalt  }
0x4a: {  	_ =	shalt  }
0x4b: {  	_ =	shalt  }
0x4c: {  	_ =	shalt  }
0x4d: {  	_ =	shalt  }
0x4e: {  	_ =	shalt  }
0x4f: {  	_ =	shalt  }
0x50: {  	_ =	shalt  }
0x51: {  	_ =	shalt  }
0x52: {  	_ =	shalt  }
0x53: {  	_ =	shalt  }
0x54: {  	_ =	shalt  }
0x55: {  	_ =	shalt  }
0x56: {  	_ =	shalt  }
0x57: {  	_ =	shalt  }
0x58: {  	_ =	shalt  }
0x59: {  	_ =	shalt  }
0x5a: {  	_ =	shalt  }
0x5b: {  	_ =	shalt  }
0x5c: {  	_ =	shalt  }
0x5d: {  	_ =	shalt  }
0x5e: {  	_ =	shalt  }
0x5f: {  	_ =	shalt  }
0x60: {  	_ =	shalt  }
0x61: {  	_ =	shalt  }
0x62: {  	_ =	shalt  }
0x63: {  	_ =	shalt  }
0x64: {  	_ =	shalt  }
0x65: {  	_ =	shalt  }
0x66: {  	_ =	shalt  }
0x67: {  	_ =	shalt  }
0x68: {  	_ =	shalt  }
0x69: {  	_ =	shalt  }
0x6a: {  	_ =	shalt  }
0x6b: {  	_ =	shalt  }
0x6c: {  	_ =	shalt  }
0x6d: {  	_ =	shalt  }
0x6e: {  	_ =	shalt  }
0x6f: {  	_ =	shalt  }
0x70: {  	_ =	shalt  }
0x71: {  	_ =	shalt  }
0x72: {  	_ =	shalt  }
0x73: {  	_ =	shalt  }
0x74: {  	_ =	shalt  }
0x75: {  	_ =	shalt  }
0x76: {  	_ =	shalt  }
0x77: {  	_ =	shalt  }
0x78: {  	_ =	shalt  }
0x79: {  	_ =	shalt  }
0x7a: {  	_ =	shalt  }
0x7b: {  	_ =	shalt  }
0x7c: {  	_ =	shalt  }
0x7d: {  	_ =	shalt  }
0x7e: {  	_ =	shalt  }
0x7f: {  	_ =	shalt  }
0x80: {  	_ =	shalt  }
0x81: {  	_ =	shalt  }
0x82: {  	_ =	shalt  }
0x83: {  	_ =	shalt  }
0x84: {  	_ =	shalt  }
0x85: {  	_ =	shalt  }
0x86: {  	_ =	shalt  }
0x87: {  	_ =	shalt  }
.Lfunc_end0:
.L_simem_size_0:
called_computation_lowered:
.L_overlay_start_0:
0x88: {  	s2 =	sld [smem:$0x3FD9]  }
0x89: {  	s3 =	sld [smem:$0x3FFE];
	_ =	sdelay $0x1  }
0x8a: {  	s1 =	srdreg.scid  }
0x8b: {  	s0 =	sand.u32 $0x1, s1  }
0x8c: {  	s18 =	sshll.u32 s0, $0xA;
	s2 =	sadd.s32 s3, s2  }
0x8d: {  	s2 =	sadd.s32 s2, s18  }
0x8e: {  	[smem:$0x3FC5] =	sst s2  }
0x8f: {  	_ = 	snop  }
0x90: {  	s2 =	sld [smem:$0x3FC9]  }
0x91: {  	s19 =	sld [smem:$0x3FC8]  }
0x92: {  	s4 =	sld [smem:$0x3FC7]  }
0x93: {  	s5 =	sld [smem:$0x3FD0];
	(tm) =	ssettm $0x1  }
0x94: {  	s6 =	sld [smem:$0x3FFB];
	_ =	sdelay $0x3  }
0x95: {  	_ =	strace s6  }
0x96: {  	s6 =	sld [smem:$0x3FFC];
	_ =	sdelay $0x3  }
0x97: {  	_ =	strace s6  }
0x98: {  	s6 =	sld [smem:$0x3FFD];
	_ =	sdelay $0x3  }
0x99: {  	_ =	strace s6  }
0x9a: {  	_ =	strace $0x8FFFFFFF  }
0x9b: {  	s20 =	sld [smem:$0x3FDB];
	_ =	sdelay $0x1  }
0x9c: {  	s7 =	simm.s32 $_scs_section_size  }
0x9d: {  	s8 =	simm.s32 $_size__tile_overlayer_lowered;
	s9 =	simm.s32 $_tile_overlayer_lowered  }
0x9e: {  	s23 =	simm.s32 $0x1BFF;
	s22 =	sshll.u32 s9, $0x1;
	s6 =	sadd.s32 s7, s20  }
0x9f: {  	s10 =	simm.s32 $0x0;
	s21 =	sshll.u32 s8, $0x1;
	s8 =	sadd.s32 s22, s6  }
0xa0: {  	[timem:s10], [sflag:s23] =	dma.local [hbm:s8], s21  }
0xa1: {  	_ =	swait.ge [sflag:s23], s21  }
0xa2: {  	s7 =	ssub.s32 $0x0, s21;
	[sflag:s23] =	ssyncset.done $0x0  }
0xa3: {  	[sflag:s23] =	ssyncadd.s32 s7;
	_ =	sdelay $0x1  }
0xa4: {  	s24 =	simm.s32 $0x1B8B  }
0xa5: {  	_ =	swait.ge [sflag:s24], $0x1  }
0xa6: {  	[sflag:s24] =	ssyncset.done $0x0  }
0xa7: {  	s25 =	simm.s32 $0x1B8E;
	[sflag:s24] =	ssyncadd.s32 $0xFFFFFFFF  }
0xa8: {  	s26 =	simm.s32 $execute0_lowered;
	[smem:$0x3FD2] =	sst s25  }
0xa9: {  	s7 =	sshll.u32 s26, $0x1;
	_ =	strace $0x80000046;
	[dreg:$0x1] =	wrdreg $0xFFFFFFFF  }
0xaa: {  	s28 =	simm.s32 $_size_execute0_lowered;
	s6 =	sadd.s32 s6, s7;
	[dreg:$0x0] =	wrdreg $0x0  }
0xab: {  	s7 =	sshll.u32 s28, $0x1;
	[dreg:$0x2] =	wrdreg s6  }
0xac: {  	[dreg:$0x3] =	wrdreg s7  }
0xad: {  	[dreg:$0x4] =	wrdreg $0xC0  }
0xae: {  	_ =	task [dreg:s10], $0x5FFFF  }
0xaf: {  	[dreg:$0x1] =	wrdreg $0xFFFFFFFF  }
0xb0: {  	[dreg:$0x0] =	wrdreg $0x60  }
0xb1: {  	[dreg:$0x2] =	wrdreg s2  }
0xb2: {  	[dreg:$0x3] =	wrdreg s19  }
0xb3: {  	[dreg:$0x4] =	wrdreg s4  }
0xb4: {  	[dreg:$0x5] =	wrdreg s5  }
0xb5: {  	[dreg:$0x6] =	wrdreg $0xC800  }
0xb6: {  	[dreg:$0x7] =	wrdreg $0x9  }
0xb7: {  	_ =	task.clear_ibuf [dreg:s10], $0x8FFFF;
	_ =	strace $0x90000046  }
0xb8: {  	s29 =	simm.s32 $0x9;
	_ =	strace $0x80000048  }
0xb9: {  	_ =	swait.ge [sflag:s29], $0x1  }
0xba: {  	[sflag:s29] =	ssyncadd.s32 $0xFFFFFFFF  }
0xbb: {  	_ =	strace $0x90000048  }
0xbc: {  	_ =	sfence  }
0xbd: {  	s30 =	sld [smem:$0x0];
	_ =	sdelay $0x2  }
0xbe: {  	s31 =	sshll.u32 s1, $0xD;
	s1 =	sshrl.u32 s1, $0x2  }
0xbf: {  	s3 =	sand.u32 $0x4000, s31;
	s1 =	sadd.s32 s1, s30  }
0xc0: {  	s0 =	sor.u32 s3, s0;
	s1 =	sshll.u32 s1, $0x11  }
0xc1: {  	s0 =	sor.u32 s1, s0  }
0xc2: {  	s0 =	sadd.s32 $0x8F2B, s0  }
0xc3: {  	[sflag:s0] =	ssyncadd.remote.s32 $0x1  }
0xc4: {  	_ =	sfence.sel $0xFFFF  }
0xc5: {  	[dreg:$0x0] =	wrdreg $0xFFFFFFFF;
	(pc) =	sbr.abs _section_cstart, $3  }
0xc6: {  	[dreg:$0x1] =	wrdreg $0xFFFFFFFF  }
0xc7: {  	_ =	task.clear_ibuf [dreg:s10], $0x2FFFF;
	_ =	strace $0x9FFFFFFF  }
0xc8: {  	(tm) =	ssettm $0x7FFFFFFF  }
0xc9: {  	_ =	shalt  }
tec
execute0_lowered:
.L_overlay_start_1:
0x0: {  	(tag) =	ssettag $0x1  }
0x1: {  	s0 =	rddreg [dreg:$0x0]  }
0x2: {  	s1 =	rddreg [dreg:$0x1];
	s31 =	stileid.u32  }
0x3: {  	s30 =	rddreg [dreg:$0x2];
	p0 =	sgt.u32 s31, $0xB  }
.Ltmp0:
0x4: {  	s5 =	rddreg [dreg:$0x3];
	(pc) =	sbr.rel @p0 .LBB2_3-.Ltmp0, $4  }
0x5: {  	[dreg:$0x6] =	wrdreg s1  }
0x6: {  	s4 =	simm.s32 $0x0;
	[dreg:$0x7] =	wrdreg s30  }
0x7: {  	[smem:$0x7FF] =	sst s4  }
0x8: {  	s3 =	rddreg [dreg:$0x4];
	_ =	strace $0x80000047  }
0x9: {  	v0 =	vlaneseq.u32  }
0xa: {  	v14 =	vmul.u32 $0x10, v0  }
0xb: {  	s1 =	srdreg.scid;
	s8 =	stileid.u32;
	s11 =	simm.s32 $0x180  }
0xc: {  	s12 =	simm.s32 $0x680;
	s6 =	sand.u32 $0x1, s1;
	s24 =	sshll.u32 s8, $0x1;
	v1 =	vor.u32 $0x1, v14  }
0xd: {  	s13 =	simm.s32 $0x200;
	s8 =	smul.u32 $0x56, s8;
	s7 =	sor.u32 s6, s24;
	v2 =	vor.u32 $0x2, v14;
	v3 =	vor.u32 $0x3, v14;
	v4 =	vor.u32 $0x4, v14  }
0xe: {  	s16 =	simm.s32 $0x780;
	s6 =	ssub.s32 $0x2, s6;
	s14 =	sshll.u32 s7, $0x8;
	v5 =	vor.u32 $0x5, v14;
	v6 =	vor.u32 $0x6, v14;
	v7 =	vor.u32 $0x7, v14  }
0xf: {  	s15 =	sshll.u32 s7, $0x16;
	s2 =	smul.u32 $0x2B, s7;
	s8 =	sshrl.u32 s8, $0x4;
	v8 =	vor.u32 $0x8, v14;
	v9 =	vor.u32 $0x9, v14;
	v10 =	vor.u32 $0xA, v14  }
0x10: {  	s25 =	sshrl.u32 s6, $0x1;
	v11 =	vor.u32 $0xB, v14;
	v12 =	vor.u32 $0xC, v14;
	v13 =	vor.u32 $0xD, v14;
	s17 =	sor.u32 $0x40000, s15;
	s18 =	sor.u32 $0x80000, s15  }
0x11: {  	v15 =	vor.u32 $0xE, v14;
	v16 =	vor.u32 $0xF, v14;
	s19 =	sor.u32 $0xC0000, s15;
	s20 =	sor.u32 $0x100000, s15;
	s21 =	sor.u32 $0x140000, s15;
	v0 =	vor.u32 s14, v14  }
0x12: {  	s22 =	sor.u32 $0x180000, s15;
	s1 =	sor.u32 $0x1C0000, s15;
	s23 =	sor.u32 $0x200000, s15;
	v1 =	vor.u32 s14, v1;
	v2 =	vor.u32 s14, v2;
	v3 =	vor.u32 s14, v3  }
0x13: {  	s24 =	sor.u32 $0x240000, s15;
	s26 =	sor.u32 $0x280000, s15;
	s28 =	sor.u32 $0x2C0000, s15;
	v4 =	vor.u32 s14, v4;
	v5 =	vor.u32 s14, v5;
	v6 =	vor.u32 s14, v6  }
0x14: {  	s29 =	sor.u32 $0x300000, s15;
	s30 =	sor.u32 $0x340000, s15;
	s9 =	sadd.s32 s14, s3;
	v7 =	vor.u32 s14, v7;
	v8 =	vor.u32 s14, v8;
	v9 =	vor.u32 s14, v9  }
0x15: {  	s31 =	sor.u32 $0x380000, s15;
	s8 =	sand.u32 $0x70, s8;
	s6 =	ssub.s32 s6, s25;
	v10 =	vor.u32 s14, v10;
	v11 =	vor.u32 s14, v11;
	v12 =	vor.u32 s14, v12  }
0x16: {  	v13 =	vor.u32 s14, v13;
	v14 =	vor.u32 s14, v15;
	v15 =	vor.u32 s14, v16;
	s14 =	simm.s32 $0x700;
	s25 =	simm.s32 $0x500;
	s2 =	sshrl.u32 s2, $0x8  }
0x17: {  	[dreg:$0x8] =	wrdreg s9;
	s5 =	sadd.s32 s8, s5;
	s6 =	smax.u32 s6, $0x1  }
0x18: {  	s8 =	simm.s32 $0x1;
	v17 =	vmov s17;
	v18 =	vmov s18;
	s17 =	simm.s32 $0x300;
	s18 =	simm.s32 $0x800  }
0x19: {  	v19 =	vmov s19;
	s19 =	simm.s32 $0x380;
	v20 =	vmov s20;
	v21 =	vmov s21;
	s20 =	simm.s32 $0x880;
	s21 =	simm.s32 $0x400  }
0x1a: {  	v22 =	vmov s22;
	s22 =	simm.s32 $0x900;
	v24 =	vmov s23;
	s23 =	simm.s32 $0x480;
	s10 =	smul.u32 $0x6, s2  }
0x1b: {  	v25 =	vmov s24;
	s24 =	simm.s32 $0x980;
	v26 =	vmov s26;
	v27 =	vmov s28;
	s26 =	simm.s32 $0xA00;
	s28 =	simm.s32 $0x580  }
0x1c: {  	v28 =	vmov s29;
	s29 =	simm.s32 $0xA80;
	v29 =	vmov s30;
	s30 =	simm.s32 $0xB00;
	s7 =	ssub.s32 s7, s10  }
0x1d: {  	v23 =	vmov s1;
	v30 =	vmov s31;
	s31 =	simm.s32 $0x2;
	s1 =	simm.s32 $0xC00;
	s7 =	sshll.u32 s7, $0x1  }
0x1e: {  	v16 =	vmov s15;
	s2 =	sor.u32 $0x3C0000, s15;
	s15 =	simm.s32 $0x280;
	s7 =	sand.u32 $0xFE, s7  }
0x1f: {  	[tilespmem:$0x1FFF0] =	vst v0;
	v31 =	vmov s2;
	s10 =	simm.s32 $0x600;
	s5 =	sadd.s32 s7, s5;
	s7 =	simm.s32 $0x80  }
.LBB2_2:
0x20: {  	s2 =	rddreg [dreg:$0x6]  }
0x21: {  	[tilespmem:s4], [sflag:$0x1] =	stream.linear.gather [hbm4b:s2+s4], $0x80, $0x38;
	[tilespmem:$0xE00] =	vst v63  }
0x22: {  	s9 =	rddreg [dreg:$0x7]  }
0x23: {  	[tilespmem:s7], [sflag:$0x1] =	stream.linear.gather [hbm4b:s9+s4], $0x80, $0x38;
	[tilespmem:$0xE00] =	vst v63  }
0x24: {  	[tilespmem:$0x510] =	vst v1  }
0x25: {  	[tilespmem:$0x520] =	vst v2  }
0x26: {  	[tilespmem:$0x530] =	vst v3  }
0x27: {  	[tilespmem:$0x540] =	vst v4  }
0x28: {  	[tilespmem:$0x550] =	vst v5  }
0x29: {  	[tilespmem:$0x560] =	vst v6  }
0x2a: {  	[tilespmem:$0x570] =	vst v7  }
0x2b: {  	[tilespmem:$0x580] =	vst v8  }
0x2c: {  	[tilespmem:$0x590] =	vst v9  }
0x2d: {  	[tilespmem:$0x5A0] =	vst v10  }
0x2e: {  	v0 =	vld [tilespmem:$0x1FFF0];
	[tilespmem:$0x5B0] =	vst v11  }
0x2f: {  	[tilespmem:$0x5C0] =	vst v12  }
0x30: {  	[tilespmem:$0x5D0] =	vst v13  }
0x31: {  	[tilespmem:$0x5E0] =	vst v14  }
0x32: {  	[tilespmem:$0x5F0] =	vst v15  }
0x33: {  	[tilespmem:$0x500] =	vst v0  }
0x34: {  	_ =	swait.ge [sflag:s8], $0x80  }
0x35: {  	[sflag:s8] =	ssyncset.done $0x0  }
0x36: {  	[sflag:s8] =	ssyncadd.s32 $0xFFFFFF80  }
0x37: {  	_ =	swait.ge [sflag:s8], $0x80  }
0x38: {  	[sflag:s8] =	ssyncset.done $0x0  }
0x39: {  	[sflag:s8] =	ssyncadd.s32 $0xFFFFFF80  }
0x3a: {  	v32 =	vld [tilespmem:$0x0]  }
0x3b: {  	v33 =	vld [tilespmem:$0x80]  }
0x3c: {  	v34 =	vld [tilespmem:$0x10]  }
0x3d: {  	v35 =	vld [tilespmem:$0x90]  }
0x3e: {  	v38 =	vld [tilespmem:$0x20]  }
0x3f: {  	v58 =	vld [tilespmem:$0xA0]  }
0x40: {  	v40 =	vld [tilespmem:$0x30]  }
0x41: {  	v61 =	vld [tilespmem:$0xB0]  }
0x42: {  	v36 =	vshll.u32 v32, $0x9;
	v37 =	vshll.u32 v33, $0x3  }
0x43: {  	v32 =	vshll.u32 v32, $0x7;
	v33 =	vand.u32 $0x7F, v33;
	v59 =	vshll.u32 v34, $0x9  }
0x44: {  	v39 =	vshll.u32 v35, $0x3;
	v34 =	vshll.u32 v34, $0x7;
	v62 =	vshll.u32 v38, $0x9  }
0x45: {  	v63 =	vshll.u32 v58, $0x3;
	v38 =	vshll.u32 v38, $0x7;
	v35 =	vand.u32 $0x7F, v35  }
0x46: {  	v41 =	vand.u32 $0x7F, v58;
	v42 =	vshll.u32 v40, $0x9;
	v43 =	vshll.u32 v61, $0x3  }
0x47: {  	v44 =	vshll.u32 v40, $0x7;
	v36 =	vand.u32 $0xFFFFF000, v36;
	v37 =	vand.u32 $0xFFFFFC00, v37  }
0x48: {  	v32 =	vand.u32 $0x380, v32;
	v39 =	vand.u32 $0xFFFFFC00, v39;
	v34 =	vand.u32 $0x380, v34  }
0x49: {  	v38 =	vand.u32 $0x380, v38;
	v45 =	vand.u32 $0x380, v44;
	v36 =	vadd.s32 v36, v37  }
0x4a: {  	v37 =	vand.u32 $0xFFFFFC00, v43;
	v32 =	vor.u32 v32, v36;
	v36 =	vand.u32 $0xFFFFF000, v59  }
0x4b: {  	v32 =	vor.u32 v33, v32;
	v60 =	vadd.s32 v36, v39;
	v39 =	vand.u32 $0xFFFFFC00, v63  }
0x4c: {  	v33 =	vor.u32 v34, v60;
	v34 =	vand.u32 $0xFFFFF000, v62;
	v46 =	vadd.s32 v16, v32  }
0x4d: {  	v50 =	vadd.s32 v17, v32;
	v34 =	vadd.s32 v34, v39;
	v33 =	vor.u32 v35, v33;
	[tilespmem:$0x100] =	vst v46  }
0x4e: {  	v35 =	vand.u32 $0xFFFFF000, v42;
	[tilespmem:$0x140] =	vst v50;
	v34 =	vor.u32 v38, v34;
	v47 =	vadd.s32 v16, v33  }
0x4f: {  	v35 =	vadd.s32 v35, v37;
	v51 =	vadd.s32 v17, v33;
	v34 =	vor.u32 v41, v34;
	[tilespmem:$0x110] =	vst v47  }
0x50: {  	v36 =	vand.u32 $0x7F, v61;
	v35 =	vor.u32 v45, v35;
	[tilespmem:$0x150] =	vst v51;
	v48 =	vadd.s32 v16, v34  }
0x51: {  	v35 =	vor.u32 v36, v35;
	v52 =	vadd.s32 v17, v34;
	[tilespmem:$0x120] =	vst v48  }
0x52: {  	v49 =	vadd.s32 v16, v35;
	[tilespmem:$0x160] =	vst v52  }
0x53: {  	v53 =	vadd.s32 v17, v35;
	[tilespmem:$0x130] =	vst v49  }
0x54: {  	s9 =	simm.s32 $0x100;
	[tilespmem:$0x170] =	vst v53  }
0x55: {  	v54 =	vadd.s32 v18, v32;
	[tilespmem:s10], [sflag:$0x1] =	stream.indirect.gather [hbm4b:s0+s7], $0x1, s9, s7, $0xb8;
	[tilespmem:$0xE00] =	vst v63  }
0x56: {  	v55 =	vadd.s32 v18, v33;
	[tilespmem:$0x180] =	vst v54  }
0x57: {  	v56 =	vadd.s32 v18, v34;
	[tilespmem:$0x190] =	vst v55  }
0x58: {  	v57 =	vadd.s32 v18, v35;
	[tilespmem:$0x1A0] =	vst v56  }
0x59: {  	v58 =	vadd.s32 v19, v32;
	[tilespmem:$0x1B0] =	vst v57  }
0x5a: {  	v59 =	vadd.s32 v19, v33;
	[tilespmem:$0x1C0] =	vst v58  }
0x5b: {  	v60 =	vadd.s32 v19, v34;
	[tilespmem:$0x1D0] =	vst v59  }
0x5c: {  	v61 =	vadd.s32 v19, v35;
	[tilespmem:$0x1E0] =	vst v60  }
0x5d: {  	[tilespmem:$0x1F0] =	vst v61  }
0x5e: {  	v62 =	vadd.s32 v20, v32;
	[tilespmem:s12], [sflag:$0x1] =	stream.indirect.gather [hbm4b:s0+s7], $0x1, s11, s7, $0xb8;
	[tilespmem:$0xE00] =	vst v63  }
0x5f: {  	v63 =	vadd.s32 v20, v33;
	[tilespmem:$0x200] =	vst v62  }
0x60: {  	v40 =	vadd.s32 v20, v34;
	[tilespmem:$0x210] =	vst v63  }
0x61: {  	v41 =	vadd.s32 v20, v35;
	[tilespmem:$0x220] =	vst v40  }
0x62: {  	v42 =	vadd.s32 v21, v32;
	[tilespmem:$0x230] =	vst v41  }
0x63: {  	v43 =	vadd.s32 v21, v33;
	[tilespmem:$0x240] =	vst v42  }
0x64: {  	v44 =	vadd.s32 v21, v34;
	[tilespmem:$0x250] =	vst v43  }
0x65: {  	v45 =	vadd.s32 v21, v35;
	[tilespmem:$0x260] =	vst v44  }
0x66: {  	[tilespmem:$0x270] =	vst v45  }
0x67: {  	v46 =	vadd.s32 v22, v32;
	[tilespmem:s14], [sflag:$0x1] =	stream.indirect.gather [hbm4b:s0+s7], $0x1, s13, s7, $0xb8;
	[tilespmem:$0xE00] =	vst v63  }
0x68: {  	v47 =	vadd.s32 v22, v33;
	[tilespmem:$0x280] =	vst v46  }
0x69: {  	v48 =	vadd.s32 v22, v34;
	[tilespmem:$0x290] =	vst v47  }
0x6a: {  	v49 =	vadd.s32 v22, v35;
	[tilespmem:$0x2A0] =	vst v48  }
0x6b: {  	v50 =	vadd.s32 v23, v32;
	[tilespmem:$0x2B0] =	vst v49  }
0x6c: {  	v51 =	vadd.s32 v23, v33;
	[tilespmem:$0x2C0] =	vst v50  }
0x6d: {  	v52 =	vadd.s32 v23, v34;
	[tilespmem:$0x2D0] =	vst v51  }
0x6e: {  	v53 =	vadd.s32 v23, v35;
	[tilespmem:$0x2E0] =	vst v52  }
0x6f: {  	[tilespmem:$0x2F0] =	vst v53  }
0x70: {  	v54 =	vadd.s32 v24, v32;
	[tilespmem:s16], [sflag:$0x1] =	stream.indirect.gather [hbm4b:s0+s7], $0x1, s15, s7, $0xb8;
	[tilespmem:$0xE00] =	vst v63  }
0x71: {  	v55 =	vadd.s32 v24, v33;
	[tilespmem:$0x300] =	vst v54  }
0x72: {  	v56 =	vadd.s32 v24, v34;
	[tilespmem:$0x310] =	vst v55  }
0x73: {  	v57 =	vadd.s32 v24, v35;
	[tilespmem:$0x320] =	vst v56  }
0x74: {  	v58 =	vadd.s32 v25, v32;
	[tilespmem:$0x330] =	vst v57  }
0x75: {  	v59 =	vadd.s32 v25, v33;
	[tilespmem:$0x340] =	vst v58  }
0x76: {  	v60 =	vadd.s32 v25, v34;
	[tilespmem:$0x350] =	vst v59  }
0x77: {  	v61 =	vadd.s32 v25, v35;
	[tilespmem:$0x360] =	vst v60  }
0x78: {  	[tilespmem:$0x370] =	vst v61  }
0x79: {  	v62 =	vadd.s32 v26, v32;
	[tilespmem:s18], [sflag:$0x1] =	stream.indirect.gather [hbm4b:s0+s7], $0x1, s17, s7, $0xb8;
	[tilespmem:$0xE00] =	vst v63  }
0x7a: {  	v63 =	vadd.s32 v26, v33;
	[tilespmem:$0x380] =	vst v62  }
0x7b: {  	v40 =	vadd.s32 v26, v34;
	[tilespmem:$0x390] =	vst v63  }
0x7c: {  	v41 =	vadd.s32 v26, v35;
	[tilespmem:$0x3A0] =	vst v40  }
0x7d: {  	v42 =	vadd.s32 v27, v32;
	[tilespmem:$0x3B0] =	vst v41  }
0x7e: {  	v43 =	vadd.s32 v27, v33;
	[tilespmem:$0x3C0] =	vst v42  }
0x7f: {  	v44 =	vadd.s32 v27, v34;
	[tilespmem:$0x3D0] =	vst v43  }
0x80: {  	v45 =	vadd.s32 v27, v35;
	[tilespmem:$0x3E0] =	vst v44  }
0x81: {  	[tilespmem:$0x3F0] =	vst v45  }
0x82: {  	v46 =	vadd.s32 v28, v32;
	[tilespmem:s20], [sflag:$0x1] =	stream.indirect.gather [hbm4b:s0+s7], $0x1, s19, s7, $0xb8;
	[tilespmem:$0xE00] =	vst v63  }
0x83: {  	v47 =	vadd.s32 v28, v33;
	[tilespmem:$0x400] =	vst v46  }
0x84: {  	v48 =	vadd.s32 v28, v34;
	[tilespmem:$0x410] =	vst v47  }
0x85: {  	v49 =	vadd.s32 v28, v35;
	[tilespmem:$0x420] =	vst v48  }
0x86: {  	v50 =	vadd.s32 v29, v32;
	[tilespmem:$0x430] =	vst v49  }
0x87: {  	v51 =	vadd.s32 v29, v33;
	[tilespmem:$0x440] =	vst v50  }
0x88: {  	v52 =	vadd.s32 v29, v34;
	[tilespmem:$0x450] =	vst v51  }
0x89: {  	v53 =	vadd.s32 v29, v35;
	[tilespmem:$0x460] =	vst v52  }
0x8a: {  	[tilespmem:$0x470] =	vst v53  }
0x8b: {  	v54 =	vadd.s32 v30, v32;
	[tilespmem:s22], [sflag:$0x1] =	stream.indirect.gather [hbm4b:s0+s7], $0x1, s21, s7, $0xb8;
	[tilespmem:$0xE00] =	vst v63  }
0x8c: {  	v55 =	vadd.s32 v30, v33;
	[tilespmem:$0x480] =	vst v54  }
0x8d: {  	v56 =	vadd.s32 v30, v34;
	[tilespmem:$0x490] =	vst v55  }
0x8e: {  	v57 =	vadd.s32 v30, v35;
	[tilespmem:$0x4A0] =	vst v56  }
0x8f: {  	v32 =	vadd.s32 v31, v32;
	[tilespmem:$0x4B0] =	vst v57  }
0x90: {  	v58 =	vadd.s32 v31, v33;
	[tilespmem:$0x4C0] =	vst v32  }
0x91: {  	v59 =	vadd.s32 v31, v34;
	[tilespmem:$0x4D0] =	vst v58  }
0x92: {  	v60 =	vadd.s32 v31, v35;
	[tilespmem:$0x4E0] =	vst v59  }
0x93: {  	[tilespmem:$0x4F0] =	vst v60  }
0x94: {  	[tilespmem:s24], [sflag:$0x1] =	stream.indirect.gather [hbm4b:s0+s7], $0x1, s23, s7, $0xb8;
	[tilespmem:$0xE00] =	vst v63  }
0x95: {  	_ =	swait.ge [sflag:s8], $0x80  }
0x96: {  	[sflag:s8] =	ssyncset.done $0x0  }
0x97: {  	[sflag:s8] =	ssyncadd.s32 $0xFFFFFF80  }
0x98: {  	_ =	swait.ge [sflag:s8], $0x80  }
0x99: {  	[sflag:s8] =	ssyncset.done $0x0  }
0x9a: {  	[sflag:s8] =	ssyncadd.s32 $0xFFFFFF80  }
0x9b: {  	_ =	swait.ge [sflag:s8], $0x80  }
0x9c: {  	[sflag:s8] =	ssyncset.done $0x0  }
0x9d: {  	[sflag:s8] =	ssyncadd.s32 $0xFFFFFF80  }
0x9e: {  	_ =	swait.ge [sflag:s8], $0x80  }
0x9f: {  	[sflag:s8] =	ssyncset.done $0x0  }
0xa0: {  	[sflag:s8] =	ssyncadd.s32 $0xFFFFFF80  }
0xa1: {  	_ =	swait.ge [sflag:s8], $0x80  }
0xa2: {  	[sflag:s8] =	ssyncset.done $0x0  }
0xa3: {  	[sflag:s8] =	ssyncadd.s32 $0xFFFFFF80  }
0xa4: {  	_ =	swait.ge [sflag:s8], $0x80  }
0xa5: {  	[sflag:s8] =	ssyncset.done $0x0  }
0xa6: {  	[sflag:s8] =	ssyncadd.s32 $0xFFFFFF80  }
0xa7: {  	_ =	swait.ge [sflag:s8], $0x80  }
0xa8: {  	[sflag:s8] =	ssyncset.done $0x0  }
0xa9: {  	[sflag:s8] =	ssyncadd.s32 $0xFFFFFF80  }
0xaa: {  	_ =	swait.ge [sflag:s8], $0x80  }
0xab: {  	[sflag:s8] =	ssyncset.done $0x0  }
0xac: {  	[sflag:s8] =	ssyncadd.s32 $0xFFFFFF80  }
0xad: {  	v32 =	vld [tilespmem:$0x600]  }
0xae: {  	v33 =	vld [tilespmem:$0x610]  }
0xaf: {  	v34 =	vld [tilespmem:$0x620]  }
0xb0: {  	v35 =	vld [tilespmem:$0x630]  }
0xb1: {  	v36 =	vld [tilespmem:$0x640]  }
0xb2: {  	v37 =	vld [tilespmem:$0x650]  }
0xb3: {  	v38 =	vld [tilespmem:$0x660]  }
0xb4: {  	v39 =	vld [tilespmem:$0x670]  }
0xb5: {  	v40 =	vld [tilespmem:$0x680]  }
0xb6: {  	v41 =	vld [tilespmem:$0x690]  }
0xb7: {  	v42 =	vld [tilespmem:$0x6A0]  }
0xb8: {  	v43 =	vld [tilespmem:$0x6B0]  }
0xb9: {  	v44 =	vld [tilespmem:$0x6C0]  }
0xba: {  	v45 =	vld [tilespmem:$0x6D0]  }
0xbb: {  	v46 =	vld [tilespmem:$0x6E0]  }
0xbc: {  	v47 =	vld [tilespmem:$0x6F0]  }
0xbd: {  	v48 =	vld [tilespmem:$0x700]  }
0xbe: {  	v49 =	vld [tilespmem:$0x710]  }
0xbf: {  	v50 =	vld [tilespmem:$0x720]  }
0xc0: {  	v51 =	vld [tilespmem:$0x730]  }
0xc1: {  	v52 =	vld [tilespmem:$0x740]  }
0xc2: {  	v53 =	vld [tilespmem:$0x750]  }
0xc3: {  	v54 =	vld [tilespmem:$0x760]  }
0xc4: {  	v55 =	vld [tilespmem:$0x770]  }
0xc5: {  	v56 =	vld [tilespmem:$0x780]  }
0xc6: {  	v57 =	vld [tilespmem:$0x790]  }
0xc7: {  	v58 =	vld [tilespmem:$0x7A0]  }
0xc8: {  	v59 =	vld [tilespmem:$0x7B0]  }
0xc9: {  	v60 =	vld [tilespmem:$0x7C0]  }
0xca: {  	v61 =	vld [tilespmem:$0x7D0]  }
0xcb: {  	v62 =	vld [tilespmem:$0x7E0]  }
0xcc: {  	v63 =	vld [tilespmem:$0x7F0];
	v32 =	vmul.f32 v32, v32;
	v33 =	vmul.f32 v33, v33  }
0xcd: {  	v0 =	vld [tilespmem:$0x800];
	v36 =	vmul.f32 v36, v36;
	v37 =	vmul.f32 v37, v37  }
0xce: {  	v32 =	vadd.f32 v33, v32;
	v33 =	vmul.f32 v34, v34;
	v34 =	vld [tilespmem:$0x810]  }
0xcf: {  	v35 =	vmul.f32 v35, v35;
	v36 =	vadd.f32 v37, v36;
	v37 =	vmul.f32 v38, v38;
	v38 =	vld [tilespmem:$0x820]  }
0xd0: {  	v32 =	vadd.f32 v33, v32;
	v33 =	vmul.f32 v40, v40;
	v40 =	vmul.f32 v41, v41;
	v41 =	vld [tilespmem:$0x830]  }
0xd1: {  	v36 =	vadd.f32 v37, v36;
	v37 =	vmul.f32 v44, v44;
	v44 =	vmul.f32 v45, v45;
	v45 =	vld [tilespmem:$0x840]  }
0xd2: {  	v39 =	vmul.f32 v39, v39;
	v33 =	vadd.f32 v40, v33;
	v40 =	vmul.f32 v42, v42;
	v42 =	vld [tilespmem:$0x850]  }
0xd3: {  	v61 =	vmul.f32 v61, v61;
	v37 =	vadd.f32 v44, v37;
	v44 =	vmul.f32 v46, v46;
	v46 =	vld [tilespmem:$0x860]  }
0xd4: {  	v0 =	vmul.f32 v0, v0;
	v32 =	vadd.f32 v35, v32;
	v35 =	vmul.f32 v43, v43;
	v43 =	vld [tilespmem:$0x880]  }
0xd5: {  	v36 =	vadd.f32 v39, v36;
	v39 =	vmul.f32 v47, v47;
	v47 =	vld [tilespmem:$0x890];
	v33 =	vadd.f32 v40, v33  }
0xd6: {  	v34 =	vmul.f32 v34, v34;
	v40 =	vld [tilespmem:$0x870];
	v37 =	vadd.f32 v44, v37;
	v44 =	vmul.f32 v49, v49  }
0xd7: {  	v49 =	vld [tilespmem:$0x8A0];
	v45 =	vmul.f32 v45, v45;
	v33 =	vadd.f32 v35, v33;
	v35 =	vmul.f32 v48, v48  }
0xd8: {  	v37 =	vadd.f32 v39, v37;
	v39 =	vmul.f32 v52, v52;
	v48 =	vmul.f32 v53, v53;
	v53 =	vld [tilespmem:$0x8C0]  }
0xd9: {  	v52 =	vmul.f32 v55, v55;
	v55 =	vld [tilespmem:$0x8D0];
	v42 =	vmul.f32 v42, v42  }
0xda: {  	v35 =	vadd.f32 v44, v35;
	v44 =	vmul.f32 v50, v50;
	v50 =	vmul.f32 v51, v51;
	v51 =	vld [tilespmem:$0x8B0]  }
0xdb: {  	v39 =	vadd.f32 v48, v39;
	v48 =	vmul.f32 v54, v54;
	v54 =	vmul.f32 v57, v57;
	v57 =	vld [tilespmem:$0x8E0]  }
0xdc: {  	v42 =	vadd.f32 v42, v45;
	v45 =	vld [tilespmem:$0x960];
	v35 =	vadd.f32 v44, v35;
	v44 =	vmul.f32 v56, v56  }
0xdd: {  	v39 =	vadd.f32 v48, v39;
	v48 =	vmul.f32 v60, v60;
	v60 =	vmul.f32 v58, v58;
	v56 =	vld [tilespmem:$0x900]  }
0xde: {  	v0 =	vadd.f32 v34, v0;
	v58 =	vmul.f32 v59, v59;
	v59 =	vmul.f32 v53, v53;
	v53 =	vld [tilespmem:$0x9C0]  }
0xdf: {  	v40 =	vmul.f32 v40, v40;
	v35 =	vadd.f32 v50, v35;
	v44 =	vadd.f32 v54, v44;
	v54 =	vld [tilespmem:$0x8F0]  }
0xe0: {  	v39 =	vadd.f32 v52, v39;
	v48 =	vadd.f32 v61, v48;
	v61 =	vmul.f32 v62, v62;
	v50 =	vld [tilespmem:$0x910]  }
0xe1: {  	v52 =	vld [tilespmem:$0x920];
	v62 =	vmul.f32 v38, v38;
	v57 =	vmul.f32 v57, v57;
	v44 =	vadd.f32 v60, v44  }
0xe2: {  	v48 =	vadd.f32 v61, v48;
	v60 =	vmul.f32 v63, v63;
	v61 =	vmul.f32 v46, v46;
	v46 =	vld [tilespmem:$0x940]  }
0xe3: {  	v0 =	vadd.f32 v62, v0;
	v62 =	vmul.f32 v41, v41;
	v41 =	vld [tilespmem:$0x950];
	v63 =	vmul.f32 v43, v43  }
0xe4: {  	v43 =	vmul.f32 v51, v51;
	[tilespmem:$0xA40] =	vst v35;
	v35 =	vld [tilespmem:$0x9E0];
	v44 =	vadd.f32 v58, v44;
	v58 =	vmul.f32 v47, v47  }
0xe5: {  	v38 =	vld [tilespmem:$0x930];
	v48 =	vadd.f32 v60, v48;
	v42 =	vadd.f32 v61, v42;
	v60 =	vmul.f32 v55, v55  }
0xe6: {  	v0 =	vadd.f32 v62, v0;
	v55 =	vld [tilespmem:$0x980];
	v62 =	vmul.f32 v49, v49;
	v61 =	vadd.f32 v58, v63  }
0xe7: {  	[tilespmem:$0xA00] =	vst v32;
	v49 =	vld [tilespmem:$0x990];
	v63 =	vadd.f32 v60, v59;
	v58 =	vmul.f32 v54, v54;
	v59 =	vmul.f32 v56, v56  }
0xe8: {  	[tilespmem:$0xA10] =	vst v36;
	v60 =	vmul.f32 v50, v50;
	v41 =	vmul.f32 v41, v41;
	v32 =	vadd.f32 v62, v61;
	v61 =	vld [tilespmem:$0x9D0]  }
0xe9: {  	[tilespmem:$0xA20] =	vst v33;
	v35 =	vmul.f32 v35, v35;
	v36 =	vadd.f32 v57, v63;
	v62 =	vmul.f32 v46, v46;
	v63 =	vld [tilespmem:$0x9A0]  }
0xea: {  	[tilespmem:$0xA30] =	vst v37;
	v47 =	vld [tilespmem:$0x970];
	v40 =	vadd.f32 v40, v42;
	v46 =	vmul.f32 v52, v52;
	v52 =	vmul.f32 v45, v45  }
0xeb: {  	[tilespmem:$0xA50] =	vst v39;
	v54 =	vld [tilespmem:$0x9B0];
	v33 =	vadd.f32 v60, v59;
	v59 =	vmul.f32 v53, v53;
	v56 =	vmul.f32 v55, v55  }
0xec: {  	[tilespmem:$0xA60] =	vst v44;
	v57 =	vmul.f32 v49, v49;
	v32 =	vadd.f32 v43, v32;
	v36 =	vadd.f32 v58, v36;
	v58 =	vld [tilespmem:$0x9F0]  }
0xed: {  	[tilespmem:$0xA70] =	vst v48;
	v37 =	vadd.f32 v41, v62;
	v33 =	vadd.f32 v46, v33;
	v60 =	vmul.f32 v61, v61  }
0xee: {  	[tilespmem:$0xA80] =	vst v0;
	v0 =	vadd.f32 v57, v56;
	v61 =	vmul.f32 v38, v38;
	v62 =	vmul.f32 v63, v63  }
0xef: {  	[tilespmem:$0xA90] =	vst v40;
	v37 =	vadd.f32 v52, v37;
	v63 =	vmul.f32 v47, v47;
	v39 =	vadd.f32 v60, v59  }
0xf0: {  	v45 =	vmul.f32 v54, v54;
	[tilespmem:$0xAA0] =	vst v32;
	v43 =	vadd.f32 v61, v33;
	v0 =	vadd.f32 v62, v0  }
0xf1: {  	[tilespmem:$0xAB0] =	vst v36;
	v46 =	vadd.f32 v63, v37;
	v47 =	vmul.f32 v58, v58;
	v35 =	vadd.f32 v35, v39  }
0xf2: {  	[tilespmem:$0xAC0] =	vst v43;
	v0 =	vadd.f32 v45, v0  }
0xf3: {  	[tilespmem:$0xAD0] =	vst v46;
	v48 =	vadd.f32 v47, v35  }
0xf4: {  	[tilespmem:$0xAE0] =	vst v0  }
0xf5: {  	[tilespmem:$0xAF0] =	vst v48  }
0xf6: {  	[spmem:s3] =	stream.indirect.scatter [tilespmem:s26], [sflag:$0x1], $0x1, s25, s7, $0xb8;
	[tilespmem:$0xE00] =	vst v63  }
0xf7: {  	_ = 	snop  }
0xf8: {  	[spmem:s3] =	stream.indirect.scatter [tilespmem:s29], [sflag:$0x1], $0x1, s28, s7, $0xb8;
	[tilespmem:$0xE00] =	vst v63  }
0xf9: {  	_ =	swait.ge [sflag:s8], $0x80  }
0xfa: {  	[sflag:s8] =	ssyncset.done $0x0  }
0xfb: {  	[sflag:s8] =	ssyncadd.s32 $0xFFFFFF80  }
0xfc: {  	_ =	swait.ge [sflag:s8], $0x80  }
0xfd: {  	[sflag:s8] =	ssyncset.done $0x0  }
0xfe: {  	s9 =	rddreg [dreg:$0x8];
	[sflag:s8] =	ssyncadd.s32 $0xFFFFFF80  }
0xff: {  	[tilespmem:s30], [sflag:$0x2] =	stream.linear.gather [spmem:s9], $0x100, $0x38;
	[tilespmem:$0xE00] =	vst v63  }
0x100: {  	_ =	swait.ge [sflag:s31], $0x100  }
0x101: {  	[sflag:s31] =	ssyncset.done $0x0  }
0x102: {  	[sflag:s31] =	ssyncadd.s32 $0xFFFFFF00  }
0x103: {  	v0 =	vld [tilespmem:$0xB00];
	_ =	sdelay $0x1  }
0x104: {  	v49 =	vld [tilespmem:$0xB10];
	_ =	sdelay $0x1  }
0x105: {  	v50 =	vld [tilespmem:$0xB20]  }
0x106: {  	v0 =	vadd.f32 $0.0e+00, v0  }
0x107: {  	v51 =	vld [tilespmem:$0xB30]  }
0x108: {  	v0 =	vadd.f32 v49, v0  }
0x109: {  	v52 =	vld [tilespmem:$0xB40]  }
0x10a: {  	v0 =	vadd.f32 v50, v0  }
0x10b: {  	v53 =	vld [tilespmem:$0xB50]  }
0x10c: {  	v0 =	vadd.f32 v51, v0  }
0x10d: {  	v54 =	vld [tilespmem:$0xB60]  }
0x10e: {  	v0 =	vadd.f32 v52, v0  }
0x10f: {  	v55 =	vld [tilespmem:$0xB70]  }
0x110: {  	v0 =	vadd.f32 v53, v0  }
0x111: {  	v56 =	vld [tilespmem:$0xB80]  }
0x112: {  	v0 =	vadd.f32 v54, v0  }
0x113: {  	v57 =	vld [tilespmem:$0xB90]  }
0x114: {  	v0 =	vadd.f32 v55, v0  }
0x115: {  	v58 =	vld [tilespmem:$0xBA0]  }
0x116: {  	v0 =	vadd.f32 v56, v0  }
0x117: {  	v59 =	vld [tilespmem:$0xBB0]  }
0x118: {  	v0 =	vadd.f32 v57, v0  }
0x119: {  	v60 =	vld [tilespmem:$0xBC0]  }
0x11a: {  	v0 =	vadd.f32 v58, v0  }
0x11b: {  	v61 =	vld [tilespmem:$0xBD0]  }
0x11c: {  	v0 =	vadd.f32 v59, v0  }
0x11d: {  	v62 =	vld [tilespmem:$0xBE0]  }
0x11e: {  	v0 =	vadd.f32 v60, v0  }
0x11f: {  	v63 =	vld [tilespmem:$0xBF0]  }
0x120: {  	v0 =	vadd.f32 v61, v0;
	_ =	sdelay $0x1  }
0x121: {  	v0 =	vadd.f32 v62, v0;
	_ =	sdelay $0x1  }
0x122: {  	v0 =	vadd.f32 v63, v0  }
0x123: {  	p0 =	sne.s32 s6, $0x1  }
.Ltmp1:
0x124: {  	[tilespmem:$0xC00] =	vst v0;
	(pc) =	sbr.rel @p0 .LBB2_2-.Ltmp1, $4  }
0x125: {  	[hbm4b:s5+s4] =	stream.linear.scatter [tilespmem:s1], [sflag:$0x2], $0x10, $0x38;
	[tilespmem:$0xE00] =	vst v63  }
0x126: {  	_ =	swait.ge [sflag:s31], $0x10  }
0x127: {  	[sflag:s31] =	ssyncset.done $0x0  }
0x128: {  	s6 =	sadd.s32 $0xFFFFFFFF, s6;
	[sflag:s31] =	ssyncadd.s32 $0xFFFFFFF0  }
.LBB2_3:
0x129: {  	_ =	sfence.sel $0x180000  }
0x12a: {  	[bflag:$0x0] =	sbarrier.arrive $0xFFFF  }
0x12b: {  	_ =	strace $0x90000047  }
0x12c: {  	s0 =	stileid.u32;
	[bflag:$0x2] =	sbarrier.arrive $0xFFFF  }
0x12d: {  	p0 =	sne.s32 s0, $0x0;
	s0 =	rddreg [dreg:$0x5]  }
0x12e: {  	s0 =	sadd.s32 @!p0 $0x100000, s0  }
0x12f: {  	[sflag:s0] =	ssyncadd.tile.s32 @!p0 $0x1;
	_ =	shalt  }
.Lfunc_end2:
_tile_overlayer_lowered:
.L_overlay_start_2:
0x130: {  	(tag) =	ssettag $0x2  }
0x131: {  	s0 =	rddreg [dreg:$0x0];
	s2 =	stileid.u32  }
0x132: {  	s1 =	rddreg [dreg:$0x1];
	p0 =	sne.s32 s2, $0x0  }
0x133: {  	s3 =	rddreg [dreg:$0x2];
	[bflag:$0x3] =	sbarrier.arrive $0xFFFF;
	s2 =	simm.s32 @!p0 $0x1C02  }
0x134: {  	[timem:s3], [sflag:s2] =	dma.local @!p0 [hbm:s0], s1  }
0x135: {  	s0 =	simm.s32 @!p0 $0x2  }
0x136: {  	_ =	swait.ge @!p0 [sflag:s0], s1  }
0x137: {  	s1 =	ssub.s32 @!p0 $0x0, s1;
	[sflag:s0] =	ssyncset.done @!p0 $0x0  }
0x138: {  	[sflag:s0] =	ssyncadd.s32 @!p0 s1  }
0x139: {  	[bflag:$0x3] =	sbarrier.arrive $0xFFFF  }
0x13a: {  	_ =	shalt  }

</sc_bundles>
